<compile_context>
chip_gen: v7x
topology: tpu7x:2x2x1
jax: 0.10.2.dev20260603
libtpu: 0.0.44.dev20260713+nightly
codegen_flags: <defaults>
</compile_context>

<pallas_src>
import jax
import jax.numpy as jnp
from jax import lax
from jax.experimental import pallas as pl
from jax.experimental.pallas import tpu as pltpu
from jax.experimental.pallas import tpu_sc as plsc

D = 768
B = 16384
NC = 2
NS = 16
NW = NC * NS
PER_W = B // NW
C = 16
NCHUNK = PER_W // C
NBUF = 3
LANES = 16
DCH = D // LANES


def _sqrt16(x):
    i = plsc.bitcast(x, jnp.int32)
    y = plsc.bitcast((i >> 1) + 0x1FBD1DF6, jnp.float32)
    for _ in range(3):
        y = 0.5 * (y + x / y)
    return y


def _body(ee, rel_t, hidx_h, ridx_h, out_h,
          hidx, ridx, hbuf, rbuf, osum, sems):
    wid = lax.axis_index("s") * NC + lax.axis_index("c")

    pltpu.sync_copy(hidx_h.at[pl.ds(wid * NCHUNK * 2 * C, NCHUNK * 2 * C)],
                    hidx)
    pltpu.sync_copy(ridx_h.at[pl.ds(wid * PER_W, PER_W)], ridx)

    def start(g, b):
        pltpu.async_copy(ee.at[hidx.at[pl.ds(g * 2 * C, 2 * C)]],
                         hbuf.at[b], sems.at[b])
        pltpu.async_copy(rel_t.at[ridx[pl.ds(g * C, C)]], rbuf.at[b],
                         sems.at[b])

    def wait(g, b):
        pltpu.make_async_copy(ee.at[hidx.at[pl.ds(g * 2 * C, 2 * C)]],
                              hbuf.at[b], sems.at[b]).wait()
        pltpu.make_async_copy(rel_t.at[ridx[pl.ds(g * C, C)]], rbuf.at[b],
                              sems.at[b]).wait()

    for b in range(NBUF):
        start(b, b)

    lanes = lax.iota(jnp.int32, LANES)

    def step(g, carry):
        b = lax.rem(g, NBUF)
        wait(g, b)

        def row(r, res):
            def dstep(j, acc):
                sl = pl.ds(j * LANES, LANES)
                v = hbuf[b, r, sl] + rbuf[b, r, sl] - hbuf[b, C + r, sl]
                return acc + v * v
            acc = lax.fori_loop(0, DCH, dstep,
                                jnp.zeros((LANES,), jnp.float32),
                                unroll=8)
            s = jnp.sum(acc)
            return jnp.where(lanes == r, jnp.full((LANES,), s), res)

        osum[pl.ds(g * C, LANES)] = _sqrt16(lax.fori_loop(
            0, C, row, jnp.zeros((LANES,), jnp.float32)))

        @pl.when(g + NBUF < NCHUNK)
        def _():
            start(g + NBUF, b)
        return carry

    lax.fori_loop(0, NCHUNK, step, 0)
    pltpu.sync_copy(osum, out_h.at[pl.ds(wid * PER_W, PER_W)])


def kernel(positive_sample, idx, negative_sample, entity_embedding,
           relation_embedding):
    del idx, negative_sample
    heads = positive_sample[:, 0].reshape(B // C, C)
    tails = positive_sample[:, 2].reshape(B // C, C)
    ht = jnp.concatenate([heads, tails], axis=-1).reshape(2 * B)
    rels = positive_sample[:, 1]

    mesh = plsc.VectorSubcoreMesh(core_axis_name="c", subcore_axis_name="s")
    f = pl.kernel(
        _body,
        out_type=jax.ShapeDtypeStruct((B,), jnp.float32),
        mesh=mesh,
        compiler_params=pltpu.CompilerParams(needs_layout_passes=False),
        scratch_types=[
            pltpu.VMEM((NCHUNK * 2 * C,), jnp.int32),
            pltpu.VMEM((PER_W,), jnp.int32),
            pltpu.VMEM((NBUF, 2 * C, D), jnp.float32),
            pltpu.VMEM((NBUF, C, D), jnp.float32),
            pltpu.VMEM((PER_W,), jnp.float32),
            pltpu.SemaphoreType.DMA((NBUF,)),
        ],
    )
    return f(entity_embedding, relation_embedding, ht, rels)

# --- scband reference (transcript-rebuilt; emitter-appended) ---
"""Pipeline reference for scband-trans-e-3530463117944 (READ-ONLY COPY).

The authoritative reference and input builder live on the scoring server;
editing this copy changes nothing except your own understanding.
"""

import jax, jax.numpy as jnp
import numpy as np
import math

DIM = 768
NENTITY = 100000
NRELATION = 100000
BATCH = 16384


def setup_inputs(seed: int = 0) -> dict:
    key = jax.random.key(seed)
    k1, k2, k3, k4 = jax.random.split(key, 4)
    bound = 6.0 / math.sqrt(DIM)
    ee = jax.random.uniform(k1, (NENTITY, DIM), minval=-bound, maxval=bound, dtype=jnp.float32)
    re = jax.random.uniform(k2, (NRELATION, DIM), minval=-bound, maxval=bound, dtype=jnp.float32)
    # init-time row normalization exactly as in the torch __init__
    ee = ee / jnp.linalg.norm(ee, axis=1, keepdims=True)
    re = re / jnp.linalg.norm(re, axis=1, keepdims=True)
    positive_sample = jax.random.randint(k3, (BATCH, 3), 0, NENTITY, dtype=jnp.int32)
    idx = jnp.arange(BATCH, dtype=jnp.int32)
    negative_sample = jax.random.randint(k4, (BATCH, 4), 0, NENTITY, dtype=jnp.int32)
    return {
        "positive_sample": positive_sample,
        "idx": idx,
        "negative_sample": negative_sample,
        "entity_embedding": ee,
        "relation_embedding": re,
    }


def reference(positive_sample, idx, negative_sample, entity_embedding, relation_embedding):
    # mode == 'test' path: positive_score = get_structure_score(positive_sample, mode='single')
    head = jnp.take(entity_embedding, positive_sample[:, 0], axis=0)[:, None, :]
    relation = jnp.take(relation_embedding, positive_sample[:, 1], axis=0)[:, None, :]
    tail = jnp.take(entity_embedding, positive_sample[:, 2], axis=0)[:, None, :]
    score = head + relation - tail
    score = jnp.sqrt(jnp.sum(score * score, axis=2))  # torch.norm(p=2, dim=2) -> [B, 1]
    return jnp.squeeze(score)  # [B]

if __name__ == "__main__":
    import jax
    _d = setup_inputs()
    print(jax.jit(kernel)(*tuple(_d.values())))

</pallas_src>

<mosaic_0001>
#map = affine_map<(d0, d1) -> (0, 0)>
#map1 = affine_map<(d0, d1) -> (0)>
module attributes {stable_mosaic.version = 14 : i64} {
  func.func @_body(%arg0: i32, %arg1: i32, %arg2: memref<100000x768xf32, #tpu.memory_space<hbm>>, %arg3: memref<100000x768xf32, #tpu.memory_space<hbm>>, %arg4: memref<32768xi32, #tpu.memory_space<hbm>>, %arg5: memref<16384xi32, #tpu.memory_space<hbm>>, %arg6: memref<16384xf32, #tpu.memory_space<hbm>>, %arg7: memref<1024xi32, #tpu.memory_space<vmem>>, %arg8: memref<512xi32, #tpu.memory_space<vmem>>, %arg9: memref<3x32x768xf32, #tpu.memory_space<vmem>>, %arg10: memref<3x16x768xf32, #tpu.memory_space<vmem>>, %arg11: memref<512xf32, #tpu.memory_space<vmem>>, %arg12: memref<3x!tpu.dma_semaphore, #tpu.memory_space<semaphore_mem>>) attributes {dimension_semantics = [#tpu.dimension_semantics<core_parallel>, #tpu.dimension_semantics<subcore_parallel>], iteration_bounds = array<i64: 2, 16>, scalar_prefetch = 0 : i64, scratch_operands = 6 : i64, tpu.core_type = #tpu.core_type<sc_vector_subcore>, window_params = [{transform_indices = #map}, {transform_indices = #map}, {transform_indices = #map1}, {transform_indices = #map1}, {transform_indices = #map1}]} {
    %mul3A = arith.constant 2 : i32
    %mul3A_0 = arith.muli %arg1, %mul3A : i32
    %add3A = arith.addi %mul3A_0, %arg0 : i32
    %mul3A_1 = arith.constant 32 : i32
    %mul3A_2 = arith.muli %add3A, %mul3A_1 : i32
    %mul3A_3 = arith.constant 2 : i32
    %mul3A_4 = arith.muli %mul3A_2, %mul3A_3 : i32
    %mul3A_5 = arith.constant 16 : i32
    %mul3A_6 = arith.muli %mul3A_4, %mul3A_5 : i32
    "tpu.region"() ({
      %run_scoped3A = tpu.sem_alloc : memref<!tpu.dma_semaphore, #tpu.memory_space<semaphore_mem>>
      %dma_start3A_92 = tpu.memref_slice %arg4[%mul3A_6] : memref<32768xi32, #tpu.memory_space<hbm>> -> memref<1024xi32, #tpu.memory_space<hbm>>
      %dma_start3A_93 = tpu.memref_slice %arg4[%mul3A_6] : memref<32768xi32, #tpu.memory_space<hbm>> -> memref<1024xi32, #tpu.memory_space<hbm>>
      tpu.enqueue_dma source(%dma_start3A_93 : memref<1024xi32, #tpu.memory_space<hbm>>) target(%arg7 : memref<1024xi32, #tpu.memory_space<vmem>>) target_semaphore(%run_scoped3A : memref<!tpu.dma_semaphore, #tpu.memory_space<semaphore_mem>>)
      %dma_wait3A = tpu.memref_slice %arg4[%mul3A_6] : memref<32768xi32, #tpu.memory_space<hbm>> -> memref<1024xi32, #tpu.memory_space<hbm>>
      %dma_wait3A_94 = tpu.memref_slice %arg4[%mul3A_6] : memref<32768xi32, #tpu.memory_space<hbm>> -> memref<1024xi32, #tpu.memory_space<hbm>>
      tpu.wait_dma2 semaphore(%run_scoped3A : memref<!tpu.dma_semaphore, #tpu.memory_space<semaphore_mem>>) src(%dma_wait3A_94 : memref<1024xi32, #tpu.memory_space<hbm>>) dst(%arg7 : memref<1024xi32, #tpu.memory_space<vmem>>)
      tpu.yield
    }) : () -> ()
    %mul3A_7 = arith.constant 512 : i32
    %mul3A_8 = arith.muli %add3A, %mul3A_7 : i32
    "tpu.region"() ({
      %run_scoped3A = tpu.sem_alloc : memref<!tpu.dma_semaphore, #tpu.memory_space<semaphore_mem>>
      %dma_start3A_92 = tpu.memref_slice %arg5[%mul3A_8] : memref<16384xi32, #tpu.memory_space<hbm>> -> memref<512xi32, #tpu.memory_space<hbm>>
      %dma_start3A_93 = tpu.memref_slice %arg5[%mul3A_8] : memref<16384xi32, #tpu.memory_space<hbm>> -> memref<512xi32, #tpu.memory_space<hbm>>
      tpu.enqueue_dma source(%dma_start3A_93 : memref<512xi32, #tpu.memory_space<hbm>>) target(%arg8 : memref<512xi32, #tpu.memory_space<vmem>>) target_semaphore(%run_scoped3A : memref<!tpu.dma_semaphore, #tpu.memory_space<semaphore_mem>>)
      %dma_wait3A = tpu.memref_slice %arg5[%mul3A_8] : memref<16384xi32, #tpu.memory_space<hbm>> -> memref<512xi32, #tpu.memory_space<hbm>>
      %dma_wait3A_94 = tpu.memref_slice %arg5[%mul3A_8] : memref<16384xi32, #tpu.memory_space<hbm>> -> memref<512xi32, #tpu.memory_space<hbm>>
      tpu.wait_dma2 semaphore(%run_scoped3A : memref<!tpu.dma_semaphore, #tpu.memory_space<semaphore_mem>>) src(%dma_wait3A_94 : memref<512xi32, #tpu.memory_space<hbm>>) dst(%arg8 : memref<512xi32, #tpu.memory_space<vmem>>)
      tpu.yield
    }) : () -> ()
    %dma_start3A = arith.constant 0 : i32
    %dma_start3A_9 = arith.constant 0 : i32
    %dma_start3A_10 = arith.constant 0 : i32
    %dma_start3A_11 = arith.constant 0 : i32
    %dma_start3A_12 = tpu.memref_slice %arg9[%dma_start3A, %dma_start3A_10, %dma_start3A_11] : memref<3x32x768xf32, #tpu.memory_space<vmem>> -> memref<1x32x768xf32, #tpu.memory_space<vmem>>
    %dma_start3A_13 = tpu.memref_squeeze %dma_start3A_12 : memref<1x32x768xf32, #tpu.memory_space<vmem>> -> memref<32x768xf32, #tpu.memory_space<vmem>>
    %dma_start3A_14 = arith.constant 0 : i32
    %dma_start3A_15 = tpu.memref_slice %arg7[%dma_start3A_14] : memref<1024xi32, #tpu.memory_space<vmem>> -> memref<32xi32, #tpu.memory_space<vmem>>
    %dma_start3A_16 = arith.constant 0 : i32
    %dma_start3A_17 = arith.constant 0 : i32
    %dma_start3A_18 = tpu.memref_slice %arg2[%dma_start3A_16, %dma_start3A_17] : memref<100000x768xf32, #tpu.memory_space<hbm>> -> memref<100000x768xf32, #tpu.memory_space<hbm>>
    %dma_start3A_19 = tpu.memref_slice %arg12[%dma_start3A_9] : memref<3x!tpu.dma_semaphore, #tpu.memory_space<semaphore_mem>> -> memref<1x!tpu.dma_semaphore, #tpu.memory_space<semaphore_mem>>
    %dma_start3A_20 = tpu.memref_squeeze %dma_start3A_19 : memref<1x!tpu.dma_semaphore, #tpu.memory_space<semaphore_mem>> -> memref<!tpu.dma_semaphore, #tpu.memory_space<semaphore_mem>>
    tpu.enqueue_indirect_dma source(%dma_start3A_18 : memref<100000x768xf32, #tpu.memory_space<hbm>>) target(%dma_start3A_13 : memref<32x768xf32, #tpu.memory_space<vmem>>) offsets(%dma_start3A_15 : memref<32xi32, #tpu.memory_space<vmem>>) semaphore(%dma_start3A_20 : memref<!tpu.dma_semaphore, #tpu.memory_space<semaphore_mem>>)
    %get3A = arith.constant 0 : index
    %get3A_21 = tpu.vector_load %arg8[%get3A] {strides = array<i32>} : memref<512xi32, #tpu.memory_space<vmem>>, vector<16xi32>,
    %dma_start3A_22 = arith.constant 0 : i32
    %dma_start3A_23 = arith.constant 0 : i32
    %dma_start3A_24 = arith.constant 0 : i32
    %dma_start3A_25 = arith.constant 0 : i32
    %dma_start3A_26 = tpu.memref_slice %arg10[%dma_start3A_22, %dma_start3A_24, %dma_start3A_25] : memref<3x16x768xf32, #tpu.memory_space<vmem>> -> memref<1x16x768xf32, #tpu.memory_space<vmem>>
    %dma_start3A_27 = tpu.memref_squeeze %dma_start3A_26 : memref<1x16x768xf32, #tpu.memory_space<vmem>> -> memref<16x768xf32, #tpu.memory_space<vmem>>
    %dma_start3A_28 = arith.constant 0 : i32
    %dma_start3A_29 = arith.constant 0 : i32
    %dma_start3A_30 = tpu.memref_slice %arg3[%dma_start3A_28, %dma_start3A_29] : memref<100000x768xf32, #tpu.memory_space<hbm>> -> memref<100000x768xf32, #tpu.memory_space<hbm>>
    %dma_start3A_31 = tpu.memref_slice %arg12[%dma_start3A_23] : memref<3x!tpu.dma_semaphore, #tpu.memory_space<semaphore_mem>> -> memref<1x!tpu.dma_semaphore, #tpu.memory_space<semaphore_mem>>
    %dma_start3A_32 = tpu.memref_squeeze %dma_start3A_31 : memref<1x!tpu.dma_semaphore, #tpu.memory_space<semaphore_mem>> -> memref<!tpu.dma_semaphore, #tpu.memory_space<semaphore_mem>>
    tpu.enqueue_indirect_dma source(%dma_start3A_30 : memref<100000x768xf32, #tpu.memory_space<hbm>>) target(%dma_start3A_27 : memref<16x768xf32, #tpu.memory_space<vmem>>) offsets(%get3A_21 : vector<16xi32>) semaphore(%dma_start3A_32 : memref<!tpu.dma_semaphore, #tpu.memory_space<semaphore_mem>>)
    %dma_start3A_33 = arith.constant 1 : i32
    %dma_start3A_34 = arith.constant 1 : i32
    %dma_start3A_35 = arith.constant 0 : i32
    %dma_start3A_36 = arith.constant 0 : i32
    %dma_start3A_37 = tpu.memref_slice %arg9[%dma_start3A_33, %dma_start3A_35, %dma_start3A_36] : memref<3x32x768xf32, #tpu.memory_space<vmem>> -> memref<1x32x768xf32, #tpu.memory_space<vmem>>
    %dma_start3A_38 = tpu.memref_squeeze %dma_start3A_37 : memref<1x32x768xf32, #tpu.memory_space<vmem>> -> memref<32x768xf32, #tpu.memory_space<vmem>>
    %dma_start3A_39 = arith.constant 32 : i32
    %dma_start3A_40 = tpu.memref_slice %arg7[%dma_start3A_39] : memref<1024xi32, #tpu.memory_space<vmem>> -> memref<32xi32, #tpu.memory_space<vmem>>
    %dma_start3A_41 = arith.constant 0 : i32
    %dma_start3A_42 = arith.constant 0 : i32
    %dma_start3A_43 = tpu.memref_slice %arg2[%dma_start3A_41, %dma_start3A_42] : memref<100000x768xf32, #tpu.memory_space<hbm>> -> memref<100000x768xf32, #tpu.memory_space<hbm>>
    %dma_start3A_44 = tpu.memref_slice %arg12[%dma_start3A_34] : memref<3x!tpu.dma_semaphore, #tpu.memory_space<semaphore_mem>> -> memref<1x!tpu.dma_semaphore, #tpu.memory_space<semaphore_mem>>
    %dma_start3A_45 = tpu.memref_squeeze %dma_start3A_44 : memref<1x!tpu.dma_semaphore, #tpu.memory_space<semaphore_mem>> -> memref<!tpu.dma_semaphore, #tpu.memory_space<semaphore_mem>>
    tpu.enqueue_indirect_dma source(%dma_start3A_43 : memref<100000x768xf32, #tpu.memory_space<hbm>>) target(%dma_start3A_38 : memref<32x768xf32, #tpu.memory_space<vmem>>) offsets(%dma_start3A_40 : memref<32xi32, #tpu.memory_space<vmem>>) semaphore(%dma_start3A_45 : memref<!tpu.dma_semaphore, #tpu.memory_space<semaphore_mem>>)
    %get3A_46 = arith.constant 16 : index
    %get3A_47 = tpu.vector_load %arg8[%get3A_46] {strides = array<i32>} : memref<512xi32, #tpu.memory_space<vmem>>, vector<16xi32>,
    %dma_start3A_48 = arith.constant 1 : i32
    %dma_start3A_49 = arith.constant 1 : i32
    %dma_start3A_50 = arith.constant 0 : i32
    %dma_start3A_51 = arith.constant 0 : i32
    %dma_start3A_52 = tpu.memref_slice %arg10[%dma_start3A_48, %dma_start3A_50, %dma_start3A_51] : memref<3x16x768xf32, #tpu.memory_space<vmem>> -> memref<1x16x768xf32, #tpu.memory_space<vmem>>
    %dma_start3A_53 = tpu.memref_squeeze %dma_start3A_52 : memref<1x16x768xf32, #tpu.memory_space<vmem>> -> memref<16x768xf32, #tpu.memory_space<vmem>>
    %dma_start3A_54 = arith.constant 0 : i32
    %dma_start3A_55 = arith.constant 0 : i32
    %dma_start3A_56 = tpu.memref_slice %arg3[%dma_start3A_54, %dma_start3A_55] : memref<100000x768xf32, #tpu.memory_space<hbm>> -> memref<100000x768xf32, #tpu.memory_space<hbm>>
    %dma_start3A_57 = tpu.memref_slice %arg12[%dma_start3A_49] : memref<3x!tpu.dma_semaphore, #tpu.memory_space<semaphore_mem>> -> memref<1x!tpu.dma_semaphore, #tpu.memory_space<semaphore_mem>>
    %dma_start3A_58 = tpu.memref_squeeze %dma_start3A_57 : memref<1x!tpu.dma_semaphore, #tpu.memory_space<semaphore_mem>> -> memref<!tpu.dma_semaphore, #tpu.memory_space<semaphore_mem>>
    tpu.enqueue_indirect_dma source(%dma_start3A_56 : memref<100000x768xf32, #tpu.memory_space<hbm>>) target(%dma_start3A_53 : memref<16x768xf32, #tpu.memory_space<vmem>>) offsets(%get3A_47 : vector<16xi32>) semaphore(%dma_start3A_58 : memref<!tpu.dma_semaphore, #tpu.memory_space<semaphore_mem>>)
    %dma_start3A_59 = arith.constant 2 : i32
    %dma_start3A_60 = arith.constant 2 : i32
    %dma_start3A_61 = arith.constant 0 : i32
    %dma_start3A_62 = arith.constant 0 : i32
    %dma_start3A_63 = tpu.memref_slice %arg9[%dma_start3A_59, %dma_start3A_61, %dma_start3A_62] : memref<3x32x768xf32, #tpu.memory_space<vmem>> -> memref<1x32x768xf32, #tpu.memory_space<vmem>>
    %dma_start3A_64 = tpu.memref_squeeze %dma_start3A_63 : memref<1x32x768xf32, #tpu.memory_space<vmem>> -> memref<32x768xf32, #tpu.memory_space<vmem>>
    %dma_start3A_65 = arith.constant 64 : i32
    %dma_start3A_66 = tpu.memref_slice %arg7[%dma_start3A_65] : memref<1024xi32, #tpu.memory_space<vmem>> -> memref<32xi32, #tpu.memory_space<vmem>>
    %dma_start3A_67 = arith.constant 0 : i32
    %dma_start3A_68 = arith.constant 0 : i32
    %dma_start3A_69 = tpu.memref_slice %arg2[%dma_start3A_67, %dma_start3A_68] : memref<100000x768xf32, #tpu.memory_space<hbm>> -> memref<100000x768xf32, #tpu.memory_space<hbm>>
    %dma_start3A_70 = tpu.memref_slice %arg12[%dma_start3A_60] : memref<3x!tpu.dma_semaphore, #tpu.memory_space<semaphore_mem>> -> memref<1x!tpu.dma_semaphore, #tpu.memory_space<semaphore_mem>>
    %dma_start3A_71 = tpu.memref_squeeze %dma_start3A_70 : memref<1x!tpu.dma_semaphore, #tpu.memory_space<semaphore_mem>> -> memref<!tpu.dma_semaphore, #tpu.memory_space<semaphore_mem>>
    tpu.enqueue_indirect_dma source(%dma_start3A_69 : memref<100000x768xf32, #tpu.memory_space<hbm>>) target(%dma_start3A_64 : memref<32x768xf32, #tpu.memory_space<vmem>>) offsets(%dma_start3A_66 : memref<32xi32, #tpu.memory_space<vmem>>) semaphore(%dma_start3A_71 : memref<!tpu.dma_semaphore, #tpu.memory_space<semaphore_mem>>)
    %get3A_72 = arith.constant 32 : index
    %get3A_73 = tpu.vector_load %arg8[%get3A_72] {strides = array<i32>} : memref<512xi32, #tpu.memory_space<vmem>>, vector<16xi32>,
    %dma_start3A_74 = arith.constant 2 : i32
    %dma_start3A_75 = arith.constant 2 : i32
    %dma_start3A_76 = arith.constant 0 : i32
    %dma_start3A_77 = arith.constant 0 : i32
    %dma_start3A_78 = tpu.memref_slice %arg10[%dma_start3A_74, %dma_start3A_76, %dma_start3A_77] : memref<3x16x768xf32, #tpu.memory_space<vmem>> -> memref<1x16x768xf32, #tpu.memory_space<vmem>>
    %dma_start3A_79 = tpu.memref_squeeze %dma_start3A_78 : memref<1x16x768xf32, #tpu.memory_space<vmem>> -> memref<16x768xf32, #tpu.memory_space<vmem>>
    %dma_start3A_80 = arith.constant 0 : i32
    %dma_start3A_81 = arith.constant 0 : i32
    %dma_start3A_82 = tpu.memref_slice %arg3[%dma_start3A_80, %dma_start3A_81] : memref<100000x768xf32, #tpu.memory_space<hbm>> -> memref<100000x768xf32, #tpu.memory_space<hbm>>
    %dma_start3A_83 = tpu.memref_slice %arg12[%dma_start3A_75] : memref<3x!tpu.dma_semaphore, #tpu.memory_space<semaphore_mem>> -> memref<1x!tpu.dma_semaphore, #tpu.memory_space<semaphore_mem>>
    %dma_start3A_84 = tpu.memref_squeeze %dma_start3A_83 : memref<1x!tpu.dma_semaphore, #tpu.memory_space<semaphore_mem>> -> memref<!tpu.dma_semaphore, #tpu.memory_space<semaphore_mem>>
    tpu.enqueue_indirect_dma source(%dma_start3A_82 : memref<100000x768xf32, #tpu.memory_space<hbm>>) target(%dma_start3A_79 : memref<16x768xf32, #tpu.memory_space<vmem>>) offsets(%get3A_73 : vector<16xi32>) semaphore(%dma_start3A_84 : memref<!tpu.dma_semaphore, #tpu.memory_space<semaphore_mem>>)
    %iota3A = tpu.iota {dimensions = array<i32: 0>} : vector<16xi32>
    %scan3A = arith.constant 0 : i32
    %scan3A_85 = arith.constant 0 : i32
    %scan3A_86 = arith.constant 32 : i32
    %scan3A_87 = arith.addi %scan3A_85, %scan3A_86 : i32
    %scan3A_88 = arith.constant 1 : i32
    scf.for %scan3A_92 = %scan3A_85 to %scan3A_87 step %scan3A_88  : i32 {
      %rem3A = arith.constant 3 : i32
      %rem3A_93 = arith.remsi %scan3A_92, %rem3A : i32
      %mul3A_94 = arith.constant 2 : i32
      %mul3A_95 = arith.muli %scan3A_92, %mul3A_94 : i32
      %mul3A_96 = arith.constant 16 : i32
      %mul3A_97 = arith.muli %mul3A_95, %mul3A_96 : i32
      %dma_wait3A = arith.constant 0 : i32
      %dma_wait3A_98 = arith.constant 0 : i32
      %dma_wait3A_99 = tpu.memref_slice %arg9[%rem3A_93, %dma_wait3A, %dma_wait3A_98] : memref<3x32x768xf32, #tpu.memory_space<vmem>> -> memref<1x32x768xf32, #tpu.memory_space<vmem>>
      %dma_wait3A_100 = tpu.memref_squeeze %dma_wait3A_99 : memref<1x32x768xf32, #tpu.memory_space<vmem>> -> memref<32x768xf32, #tpu.memory_space<vmem>>
      %dma_wait3A_101 = tpu.memref_slice %arg7[%mul3A_97] : memref<1024xi32, #tpu.memory_space<vmem>> -> memref<32xi32, #tpu.memory_space<vmem>>
      %dma_wait3A_102 = arith.constant 0 : i32
      %dma_wait3A_103 = arith.constant 0 : i32
      %dma_wait3A_104 = tpu.memref_slice %arg2[%dma_wait3A_102, %dma_wait3A_103] : memref<100000x768xf32, #tpu.memory_space<hbm>> -> memref<100000x768xf32, #tpu.memory_space<hbm>>
      %dma_wait3A_105 = tpu.memref_slice %arg12[%rem3A_93] : memref<3x!tpu.dma_semaphore, #tpu.memory_space<semaphore_mem>> -> memref<1x!tpu.dma_semaphore, #tpu.memory_space<semaphore_mem>>
      %dma_wait3A_106 = tpu.memref_squeeze %dma_wait3A_105 : memref<1x!tpu.dma_semaphore, #tpu.memory_space<semaphore_mem>> -> memref<!tpu.dma_semaphore, #tpu.memory_space<semaphore_mem>>
      tpu.wait_indirect_dma semaphore(%dma_wait3A_106 : memref<!tpu.dma_semaphore, #tpu.memory_space<semaphore_mem>>) src(%dma_wait3A_104 : memref<100000x768xf32, #tpu.memory_space<hbm>>) dst(%dma_wait3A_100 : memref<32x768xf32, #tpu.memory_space<vmem>>)
      %mul3A_107 = arith.constant 16 : i32
      %mul3A_108 = arith.muli %scan3A_92, %mul3A_107 : i32
      %get3A_109 = arith.index_cast %mul3A_108 : i32 to index
      %get3A_110 = tpu.vector_load %arg8[%get3A_109] {strides = array<i32>} : memref<512xi32, #tpu.memory_space<vmem>>, vector<16xi32>,
      %dma_wait3A_111 = arith.constant 0 : i32
      %dma_wait3A_112 = arith.constant 0 : i32
      %dma_wait3A_113 = tpu.memref_slice %arg10[%rem3A_93, %dma_wait3A_111, %dma_wait3A_112] : memref<3x16x768xf32, #tpu.memory_space<vmem>> -> memref<1x16x768xf32, #tpu.memory_space<vmem>>
      %dma_wait3A_114 = tpu.memref_squeeze %dma_wait3A_113 : memref<1x16x768xf32, #tpu.memory_space<vmem>> -> memref<16x768xf32, #tpu.memory_space<vmem>>
      %dma_wait3A_115 = arith.constant 0 : i32
      %dma_wait3A_116 = arith.constant 0 : i32
      %dma_wait3A_117 = tpu.memref_slice %arg3[%dma_wait3A_115, %dma_wait3A_116] : memref<100000x768xf32, #tpu.memory_space<hbm>> -> memref<100000x768xf32, #tpu.memory_space<hbm>>
      %dma_wait3A_118 = tpu.memref_slice %arg12[%rem3A_93] : memref<3x!tpu.dma_semaphore, #tpu.memory_space<semaphore_mem>> -> memref<1x!tpu.dma_semaphore, #tpu.memory_space<semaphore_mem>>
      %dma_wait3A_119 = tpu.memref_squeeze %dma_wait3A_118 : memref<1x!tpu.dma_semaphore, #tpu.memory_space<semaphore_mem>> -> memref<!tpu.dma_semaphore, #tpu.memory_space<semaphore_mem>>
      tpu.wait_indirect_dma semaphore(%dma_wait3A_119 : memref<!tpu.dma_semaphore, #tpu.memory_space<semaphore_mem>>) src(%dma_wait3A_117 : memref<100000x768xf32, #tpu.memory_space<hbm>>) dst(%dma_wait3A_114 : memref<16x768xf32, #tpu.memory_space<vmem>>)
      %broadcast_in_dim3A = arith.constant 0.000000e+00 : f32
      %broadcast_in_dim3A_120 = vector.broadcast %broadcast_in_dim3A : f32 to vector<16xf32>
      %scan3A_121 = arith.constant 0 : i32
      %scan3A_122 = arith.constant 16 : i32
      %scan3A_123 = arith.addi %scan3A_121, %scan3A_122 : i32
      %scan3A_124 = arith.constant 1 : i32
      %scan3A_125 = scf.for %scan3A_154 = %scan3A_121 to %scan3A_123 step %scan3A_124 iter_args(%scan3A_155 = %broadcast_in_dim3A_120) -> (vector<16xf32>)  : i32 {
        %broadcast_in_dim3A_156 = arith.constant 0.000000e+00 : f32
        %broadcast_in_dim3A_157 = vector.broadcast %broadcast_in_dim3A_156 : f32 to vector<16xf32>
        %scan3A_158 = arith.constant 0 : i32
        %scan3A_159 = arith.constant 48 : i32
        %scan3A_160 = arith.addi %scan3A_158, %scan3A_159 : i32
        %scan3A_161 = arith.constant 8 : i32
        %scan3A_162 = scf.for %scan3A_169 = %scan3A_158 to %scan3A_160 step %scan3A_161 iter_args(%scan3A_170 = %broadcast_in_dim3A_157) -> (vector<16xf32>)  : i32 {
          %mul3A_171 = arith.constant 16 : i32
          %mul3A_172 = arith.muli %scan3A_169, %mul3A_171 : i32
          %get3A_173 = arith.index_cast %rem3A_93 : i32 to index
          %get3A_174 = arith.index_cast %scan3A_154 : i32 to index
          %get3A_175 = arith.index_cast %mul3A_172 : i32 to index
          %get3A_176 = tpu.vector_load %arg9[%get3A_173, %get3A_174, %get3A_175] {strides = array<i32>} : memref<3x32x768xf32, #tpu.memory_space<vmem>>, vector<16xf32>,
          %get3A_177 = arith.index_cast %rem3A_93 : i32 to index
          %get3A_178 = arith.index_cast %scan3A_154 : i32 to index
          %get3A_179 = arith.index_cast %mul3A_172 : i32 to index
          %get3A_180 = tpu.vector_load %arg10[%get3A_177, %get3A_178, %get3A_179] {strides = array<i32>} : memref<3x16x768xf32, #tpu.memory_space<vmem>>, vector<16xf32>,
          %add3A_181 = arith.addf %get3A_176, %get3A_180 : vector<16xf32>
          %add3A_182 = arith.constant 16 : i32
          %add3A_183 = arith.addi %add3A_182, %scan3A_154 : i32
          %get3A_184 = arith.index_cast %rem3A_93 : i32 to index
          %get3A_185 = arith.index_cast %add3A_183 : i32 to index
          %get3A_186 = arith.index_cast %mul3A_172 : i32 to index
          %get3A_187 = tpu.vector_load %arg9[%get3A_184, %get3A_185, %get3A_186] {strides = array<i32>} : memref<3x32x768xf32, #tpu.memory_space<vmem>>, vector<16xf32>,
          %sub3A = arith.subf %add3A_181, %get3A_187 : vector<16xf32>
          %mul3A_188 = arith.mulf %sub3A, %sub3A : vector<16xf32>
          %add3A_189 = arith.addf %scan3A_170, %mul3A_188 : vector<16xf32>
          %scan3A_190 = arith.constant 1 : i32
          %scan3A_191 = arith.addi %scan3A_169, %scan3A_190 : i32
          %mul3A_192 = arith.constant 16 : i32
          %mul3A_193 = arith.muli %scan3A_191, %mul3A_192 : i32
          %get3A_194 = arith.index_cast %rem3A_93 : i32 to index
          %get3A_195 = arith.index_cast %scan3A_154 : i32 to index
          %get3A_196 = arith.index_cast %mul3A_193 : i32 to index
          %get3A_197 = tpu.vector_load %arg9[%get3A_194, %get3A_195, %get3A_196] {strides = array<i32>} : memref<3x32x768xf32, #tpu.memory_space<vmem>>, vector<16xf32>,
          %get3A_198 = arith.index_cast %rem3A_93 : i32 to index
          %get3A_199 = arith.index_cast %scan3A_154 : i32 to index
          %get3A_200 = arith.index_cast %mul3A_193 : i32 to index
          %get3A_201 = tpu.vector_load %arg10[%get3A_198, %get3A_199, %get3A_200] {strides = array<i32>} : memref<3x16x768xf32, #tpu.memory_space<vmem>>, vector<16xf32>,
          %add3A_202 = arith.addf %get3A_197, %get3A_201 : vector<16xf32>
          %add3A_203 = arith.constant 16 : i32
          %add3A_204 = arith.addi %add3A_203, %scan3A_154 : i32
          %get3A_205 = arith.index_cast %rem3A_93 : i32 to index
          %get3A_206 = arith.index_cast %add3A_204 : i32 to index
          %get3A_207 = arith.index_cast %mul3A_193 : i32 to index
          %get3A_208 = tpu.vector_load %arg9[%get3A_205, %get3A_206, %get3A_207] {strides = array<i32>} : memref<3x32x768xf32, #tpu.memory_space<vmem>>, vector<16xf32>,
          %sub3A_209 = arith.subf %add3A_202, %get3A_208 : vector<16xf32>
          %mul3A_210 = arith.mulf %sub3A_209, %sub3A_209 : vector<16xf32>
          %add3A_211 = arith.addf %add3A_189, %mul3A_210 : vector<16xf32>
          %scan3A_212 = arith.constant 2 : i32
          %scan3A_213 = arith.addi %scan3A_169, %scan3A_212 : i32
          %mul3A_214 = arith.constant 16 : i32
          %mul3A_215 = arith.muli %scan3A_213, %mul3A_214 : i32
          %get3A_216 = arith.index_cast %rem3A_93 : i32 to index
          %get3A_217 = arith.index_cast %scan3A_154 : i32 to index
          %get3A_218 = arith.index_cast %mul3A_215 : i32 to index
          %get3A_219 = tpu.vector_load %arg9[%get3A_216, %get3A_217, %get3A_218] {strides = array<i32>} : memref<3x32x768xf32, #tpu.memory_space<vmem>>, vector<16xf32>,
          %get3A_220 = arith.index_cast %rem3A_93 : i32 to index
          %get3A_221 = arith.index_cast %scan3A_154 : i32 to index
          %get3A_222 = arith.index_cast %mul3A_215 : i32 to index
          %get3A_223 = tpu.vector_load %arg10[%get3A_220, %get3A_221, %get3A_222] {strides = array<i32>} : memref<3x16x768xf32, #tpu.memory_space<vmem>>, vector<16xf32>,
          %add3A_224 = arith.addf %get3A_219, %get3A_223 : vector<16xf32>
          %add3A_225 = arith.constant 16 : i32
          %add3A_226 = arith.addi %add3A_225, %scan3A_154 : i32
          %get3A_227 = arith.index_cast %rem3A_93 : i32 to index
          %get3A_228 = arith.index_cast %add3A_226 : i32 to index
          %get3A_229 = arith.index_cast %mul3A_215 : i32 to index
          %get3A_230 = tpu.vector_load %arg9[%get3A_227, %get3A_228, %get3A_229] {strides = array<i32>} : memref<3x32x768xf32, #tpu.memory_space<vmem>>, vector<16xf32>,
          %sub3A_231 = arith.subf %add3A_224, %get3A_230 : vector<16xf32>
          %mul3A_232 = arith.mulf %sub3A_231, %sub3A_231 : vector<16xf32>
          %add3A_233 = arith.addf %add3A_211, %mul3A_232 : vector<16xf32>
          %scan3A_234 = arith.constant 3 : i32
          %scan3A_235 = arith.addi %scan3A_169, %scan3A_234 : i32
          %mul3A_236 = arith.constant 16 : i32
          %mul3A_237 = arith.muli %scan3A_235, %mul3A_236 : i32
          %get3A_238 = arith.index_cast %rem3A_93 : i32 to index
          %get3A_239 = arith.index_cast %scan3A_154 : i32 to index
          %get3A_240 = arith.index_cast %mul3A_237 : i32 to index
          %get3A_241 = tpu.vector_load %arg9[%get3A_238, %get3A_239, %get3A_240] {strides = array<i32>} : memref<3x32x768xf32, #tpu.memory_space<vmem>>, vector<16xf32>,
          %get3A_242 = arith.index_cast %rem3A_93 : i32 to index
          %get3A_243 = arith.index_cast %scan3A_154 : i32 to index
          %get3A_244 = arith.index_cast %mul3A_237 : i32 to index
          %get3A_245 = tpu.vector_load %arg10[%get3A_242, %get3A_243, %get3A_244] {strides = array<i32>} : memref<3x16x768xf32, #tpu.memory_space<vmem>>, vector<16xf32>,
          %add3A_246 = arith.addf %get3A_241, %get3A_245 : vector<16xf32>
          %add3A_247 = arith.constant 16 : i32
          %add3A_248 = arith.addi %add3A_247, %scan3A_154 : i32
          %get3A_249 = arith.index_cast %rem3A_93 : i32 to index
          %get3A_250 = arith.index_cast %add3A_248 : i32 to index
          %get3A_251 = arith.index_cast %mul3A_237 : i32 to index
          %get3A_252 = tpu.vector_load %arg9[%get3A_249, %get3A_250, %get3A_251] {strides = array<i32>} : memref<3x32x768xf32, #tpu.memory_space<vmem>>, vector<16xf32>,
          %sub3A_253 = arith.subf %add3A_246, %get3A_252 : vector<16xf32>
          %mul3A_254 = arith.mulf %sub3A_253, %sub3A_253 : vector<16xf32>
          %add3A_255 = arith.addf %add3A_233, %mul3A_254 : vector<16xf32>
          %scan3A_256 = arith.constant 4 : i32
          %scan3A_257 = arith.addi %scan3A_169, %scan3A_256 : i32
          %mul3A_258 = arith.constant 16 : i32
          %mul3A_259 = arith.muli %scan3A_257, %mul3A_258 : i32
          %get3A_260 = arith.index_cast %rem3A_93 : i32 to index
          %get3A_261 = arith.index_cast %scan3A_154 : i32 to index
          %get3A_262 = arith.index_cast %mul3A_259 : i32 to index
          %get3A_263 = tpu.vector_load %arg9[%get3A_260, %get3A_261, %get3A_262] {strides = array<i32>} : memref<3x32x768xf32, #tpu.memory_space<vmem>>, vector<16xf32>,
          %get3A_264 = arith.index_cast %rem3A_93 : i32 to index
          %get3A_265 = arith.index_cast %scan3A_154 : i32 to index
          %get3A_266 = arith.index_cast %mul3A_259 : i32 to index
          %get3A_267 = tpu.vector_load %arg10[%get3A_264, %get3A_265, %get3A_266] {strides = array<i32>} : memref<3x16x768xf32, #tpu.memory_space<vmem>>, vector<16xf32>,
          %add3A_268 = arith.addf %get3A_263, %get3A_267 : vector<16xf32>
          %add3A_269 = arith.constant 16 : i32
          %add3A_270 = arith.addi %add3A_269, %scan3A_154 : i32
          %get3A_271 = arith.index_cast %rem3A_93 : i32 to index
          %get3A_272 = arith.index_cast %add3A_270 : i32 to index
          %get3A_273 = arith.index_cast %mul3A_259 : i32 to index
          %get3A_274 = tpu.vector_load %arg9[%get3A_271, %get3A_272, %get3A_273] {strides = array<i32>} : memref<3x32x768xf32, #tpu.memory_space<vmem>>, vector<16xf32>,
          %sub3A_275 = arith.subf %add3A_268, %get3A_274 : vector<16xf32>
          %mul3A_276 = arith.mulf %sub3A_275, %sub3A_275 : vector<16xf32>
          %add3A_277 = arith.addf %add3A_255, %mul3A_276 : vector<16xf32>
          %scan3A_278 = arith.constant 5 : i32
          %scan3A_279 = arith.addi %scan3A_169, %scan3A_278 : i32
          %mul3A_280 = arith.constant 16 : i32
          %mul3A_281 = arith.muli %scan3A_279, %mul3A_280 : i32
          %get3A_282 = arith.index_cast %rem3A_93 : i32 to index
          %get3A_283 = arith.index_cast %scan3A_154 : i32 to index
          %get3A_284 = arith.index_cast %mul3A_281 : i32 to index
          %get3A_285 = tpu.vector_load %arg9[%get3A_282, %get3A_283, %get3A_284] {strides = array<i32>} : memref<3x32x768xf32, #tpu.memory_space<vmem>>, vector<16xf32>,
          %get3A_286 = arith.index_cast %rem3A_93 : i32 to index
          %get3A_287 = arith.index_cast %scan3A_154 : i32 to index
          %get3A_288 = arith.index_cast %mul3A_281 : i32 to index
          %get3A_289 = tpu.vector_load %arg10[%get3A_286, %get3A_287, %get3A_288] {strides = array<i32>} : memref<3x16x768xf32, #tpu.memory_space<vmem>>, vector<16xf32>,
          %add3A_290 = arith.addf %get3A_285, %get3A_289 : vector<16xf32>
          %add3A_291 = arith.constant 16 : i32
          %add3A_292 = arith.addi %add3A_291, %scan3A_154 : i32
          %get3A_293 = arith.index_cast %rem3A_93 : i32 to index
          %get3A_294 = arith.index_cast %add3A_292 : i32 to index
          %get3A_295 = arith.index_cast %mul3A_281 : i32 to index
          %get3A_296 = tpu.vector_load %arg9[%get3A_293, %get3A_294, %get3A_295] {strides = array<i32>} : memref<3x32x768xf32, #tpu.memory_space<vmem>>, vector<16xf32>,
          %sub3A_297 = arith.subf %add3A_290, %get3A_296 : vector<16xf32>
          %mul3A_298 = arith.mulf %sub3A_297, %sub3A_297 : vector<16xf32>
          %add3A_299 = arith.addf %add3A_277, %mul3A_298 : vector<16xf32>
          %scan3A_300 = arith.constant 6 : i32
          %scan3A_301 = arith.addi %scan3A_169, %scan3A_300 : i32
          %mul3A_302 = arith.constant 16 : i32
          %mul3A_303 = arith.muli %scan3A_301, %mul3A_302 : i32
          %get3A_304 = arith.index_cast %rem3A_93 : i32 to index
          %get3A_305 = arith.index_cast %scan3A_154 : i32 to index
          %get3A_306 = arith.index_cast %mul3A_303 : i32 to index
          %get3A_307 = tpu.vector_load %arg9[%get3A_304, %get3A_305, %get3A_306] {strides = array<i32>} : memref<3x32x768xf32, #tpu.memory_space<vmem>>, vector<16xf32>,
          %get3A_308 = arith.index_cast %rem3A_93 : i32 to index
          %get3A_309 = arith.index_cast %scan3A_154 : i32 to index
          %get3A_310 = arith.index_cast %mul3A_303 : i32 to index
          %get3A_311 = tpu.vector_load %arg10[%get3A_308, %get3A_309, %get3A_310] {strides = array<i32>} : memref<3x16x768xf32, #tpu.memory_space<vmem>>, vector<16xf32>,
          %add3A_312 = arith.addf %get3A_307, %get3A_311 : vector<16xf32>
          %add3A_313 = arith.constant 16 : i32
          %add3A_314 = arith.addi %add3A_313, %scan3A_154 : i32
          %get3A_315 = arith.index_cast %rem3A_93 : i32 to index
          %get3A_316 = arith.index_cast %add3A_314 : i32 to index
          %get3A_317 = arith.index_cast %mul3A_303 : i32 to index
          %get3A_318 = tpu.vector_load %arg9[%get3A_315, %get3A_316, %get3A_317] {strides = array<i32>} : memref<3x32x768xf32, #tpu.memory_space<vmem>>, vector<16xf32>,
          %sub3A_319 = arith.subf %add3A_312, %get3A_318 : vector<16xf32>
          %mul3A_320 = arith.mulf %sub3A_319, %sub3A_319 : vector<16xf32>
          %add3A_321 = arith.addf %add3A_299, %mul3A_320 : vector<16xf32>
          %scan3A_322 = arith.constant 7 : i32
          %scan3A_323 = arith.addi %scan3A_169, %scan3A_322 : i32
          %mul3A_324 = arith.constant 16 : i32
          %mul3A_325 = arith.muli %scan3A_323, %mul3A_324 : i32
          %get3A_326 = arith.index_cast %rem3A_93 : i32 to index
          %get3A_327 = arith.index_cast %scan3A_154 : i32 to index
          %get3A_328 = arith.index_cast %mul3A_325 : i32 to index
          %get3A_329 = tpu.vector_load %arg9[%get3A_326, %get3A_327, %get3A_328] {strides = array<i32>} : memref<3x32x768xf32, #tpu.memory_space<vmem>>, vector<16xf32>,
          %get3A_330 = arith.index_cast %rem3A_93 : i32 to index
          %get3A_331 = arith.index_cast %scan3A_154 : i32 to index
          %get3A_332 = arith.index_cast %mul3A_325 : i32 to index
          %get3A_333 = tpu.vector_load %arg10[%get3A_330, %get3A_331, %get3A_332] {strides = array<i32>} : memref<3x16x768xf32, #tpu.memory_space<vmem>>, vector<16xf32>,
          %add3A_334 = arith.addf %get3A_329, %get3A_333 : vector<16xf32>
          %add3A_335 = arith.constant 16 : i32
          %add3A_336 = arith.addi %add3A_335, %scan3A_154 : i32
          %get3A_337 = arith.index_cast %rem3A_93 : i32 to index
          %get3A_338 = arith.index_cast %add3A_336 : i32 to index
          %get3A_339 = arith.index_cast %mul3A_325 : i32 to index
          %get3A_340 = tpu.vector_load %arg9[%get3A_337, %get3A_338, %get3A_339] {strides = array<i32>} : memref<3x32x768xf32, #tpu.memory_space<vmem>>, vector<16xf32>,
          %sub3A_341 = arith.subf %add3A_334, %get3A_340 : vector<16xf32>
          %mul3A_342 = arith.mulf %sub3A_341, %sub3A_341 : vector<16xf32>
          %add3A_343 = arith.addf %add3A_321, %mul3A_342 : vector<16xf32>
          scf.yield %add3A_343 : vector<16xf32>
        }
        %scan3A_163 = arith.constant 48 : i32
        %reduce_sum3A = arith.constant true
        %reduce_sum3A_164 = vector.broadcast %reduce_sum3A : i1 to vector<16xi1>
        %reduce_sum3A_165 = tpu.scan <sum>, %scan3A_162 masked %reduce_sum3A_164 : vector<16xf32>, vector<16xi1> -> vector<16xf32>
        %reduce_sum3A_166 = vector.extract %reduce_sum3A_165[15] : f32 from vector<16xf32>
        %eq3A = vector.broadcast %scan3A_154 : i32 to vector<16xi32>
        %eq3A_167 = arith.cmpi eq, %iota3A, %eq3A : vector<16xi32>
        %broadcast_in_dim3A_168 = vector.broadcast %reduce_sum3A_166 : f32 to vector<16xf32>
        %select_n3A = arith.select %eq3A_167, %broadcast_in_dim3A_168, %scan3A_155 : vector<16xi1>, vector<16xf32>
        scf.yield %select_n3A : vector<16xf32>
      }
      %scan3A_126 = arith.constant 16 : i32
      %bitcast3A = vector.bitcast %scan3A_125 : vector<16xf32> to vector<16xi32>
      %shift_right_arithmetic3A = arith.constant 1 : i32
      %shift_right_arithmetic3A_127 = vector.broadcast %shift_right_arithmetic3A : i32 to vector<16xi32>
      %shift_right_arithmetic3A_128 = arith.shrsi %bitcast3A, %shift_right_arithmetic3A_127 : vector<16xi32>
      %add3A_129 = arith.constant 532487670 : i32
      %add3A_130 = vector.broadcast %add3A_129 : i32 to vector<16xi32>
      %add3A_131 = arith.addi %shift_right_arithmetic3A_128, %add3A_130 : vector<16xi32>
      %bitcast3A_132 = vector.bitcast %add3A_131 : vector<16xi32> to vector<16xf32>
      %div3A = arith.divf %scan3A_125, %bitcast3A_132 : vector<16xf32>
      %add3A_133 = arith.addf %bitcast3A_132, %div3A : vector<16xf32>
      %mul3A_134 = arith.constant 5.000000e-01 : f32
      %mul3A_135 = vector.broadcast %mul3A_134 : f32 to vector<16xf32>
      %mul3A_136 = arith.mulf %mul3A_135, %add3A_133 : vector<16xf32>
      %div3A_137 = arith.divf %scan3A_125, %mul3A_136 : vector<16xf32>
      %add3A_138 = arith.addf %mul3A_136, %div3A_137 : vector<16xf32>
      %mul3A_139 = arith.constant 5.000000e-01 : f32
      %mul3A_140 = vector.broadcast %mul3A_139 : f32 to vector<16xf32>
      %mul3A_141 = arith.mulf %mul3A_140, %add3A_138 : vector<16xf32>
      %div3A_142 = arith.divf %scan3A_125, %mul3A_141 : vector<16xf32>
      %add3A_143 = arith.addf %mul3A_141, %div3A_142 : vector<16xf32>
      %mul3A_144 = arith.constant 5.000000e-01 : f32
      %mul3A_145 = vector.broadcast %mul3A_144 : f32 to vector<16xf32>
      %mul3A_146 = arith.mulf %mul3A_145, %add3A_143 : vector<16xf32>
      %mul3A_147 = arith.constant 16 : i32
      %mul3A_148 = arith.muli %scan3A_92, %mul3A_147 : i32
      %swap3A = arith.index_cast %mul3A_148 : i32 to index
      %swap3A_149 = tpu.vector_load %arg11[%swap3A] {strides = array<i32>} : memref<512xf32, #tpu.memory_space<vmem>>, vector<16xf32>,
      tpu.vector_store %arg11[%swap3A], %mul3A_146 {strides = array<i32>} : memref<512xf32, #tpu.memory_space<vmem>>, vector<16xf32>,
      %add3A_150 = arith.constant 3 : i32
      %add3A_151 = arith.addi %scan3A_92, %add3A_150 : i32
      %lt3A = arith.constant 32 : i32
      %lt3A_152 = arith.cmpi slt, %add3A_151, %lt3A : i32
      %convert_element_type3A = arith.extui %lt3A_152 : i1 to i32
      %cond3A = arith.constant 0 : i32
      %cond3A_153 = arith.cmpi ne, %convert_element_type3A, %cond3A : i32
      scf.if %cond3A_153 {
        %add3A_154 = arith.constant 3 : i32
        %add3A_155 = arith.addi %scan3A_92, %add3A_154 : i32
        %mul3A_156 = arith.constant 2 : i32
        %mul3A_157 = arith.muli %add3A_155, %mul3A_156 : i32
        %mul3A_158 = arith.constant 16 : i32
        %mul3A_159 = arith.muli %mul3A_157, %mul3A_158 : i32
        %dma_start3A_160 = arith.constant 0 : i32
        %dma_start3A_161 = arith.constant 0 : i32
        %dma_start3A_162 = tpu.memref_slice %arg9[%rem3A_93, %dma_start3A_160, %dma_start3A_161] : memref<3x32x768xf32, #tpu.memory_space<vmem>> -> memref<1x32x768xf32, #tpu.memory_space<vmem>>
        %dma_start3A_163 = tpu.memref_squeeze %dma_start3A_162 : memref<1x32x768xf32, #tpu.memory_space<vmem>> -> memref<32x768xf32, #tpu.memory_space<vmem>>
        %dma_start3A_164 = tpu.memref_slice %arg7[%mul3A_159] : memref<1024xi32, #tpu.memory_space<vmem>> -> memref<32xi32, #tpu.memory_space<vmem>>
        %dma_start3A_165 = arith.constant 0 : i32
        %dma_start3A_166 = arith.constant 0 : i32
        %dma_start3A_167 = tpu.memref_slice %arg2[%dma_start3A_165, %dma_start3A_166] : memref<100000x768xf32, #tpu.memory_space<hbm>> -> memref<100000x768xf32, #tpu.memory_space<hbm>>
        %dma_start3A_168 = tpu.memref_slice %arg12[%rem3A_93] : memref<3x!tpu.dma_semaphore, #tpu.memory_space<semaphore_mem>> -> memref<1x!tpu.dma_semaphore, #tpu.memory_space<semaphore_mem>>
        %dma_start3A_169 = tpu.memref_squeeze %dma_start3A_168 : memref<1x!tpu.dma_semaphore, #tpu.memory_space<semaphore_mem>> -> memref<!tpu.dma_semaphore, #tpu.memory_space<semaphore_mem>>
        tpu.enqueue_indirect_dma source(%dma_start3A_167 : memref<100000x768xf32, #tpu.memory_space<hbm>>) target(%dma_start3A_163 : memref<32x768xf32, #tpu.memory_space<vmem>>) offsets(%dma_start3A_164 : memref<32xi32, #tpu.memory_space<vmem>>) semaphore(%dma_start3A_169 : memref<!tpu.dma_semaphore, #tpu.memory_space<semaphore_mem>>)
        %mul3A_170 = arith.constant 16 : i32
        %mul3A_171 = arith.muli %add3A_155, %mul3A_170 : i32
        %get3A_172 = arith.index_cast %mul3A_171 : i32 to index
        %get3A_173 = tpu.vector_load %arg8[%get3A_172] {strides = array<i32>} : memref<512xi32, #tpu.memory_space<vmem>>, vector<16xi32>,
        %dma_start3A_174 = arith.constant 0 : i32
        %dma_start3A_175 = arith.constant 0 : i32
        %dma_start3A_176 = tpu.memref_slice %arg10[%rem3A_93, %dma_start3A_174, %dma_start3A_175] : memref<3x16x768xf32, #tpu.memory_space<vmem>> -> memref<1x16x768xf32, #tpu.memory_space<vmem>>
        %dma_start3A_177 = tpu.memref_squeeze %dma_start3A_176 : memref<1x16x768xf32, #tpu.memory_space<vmem>> -> memref<16x768xf32, #tpu.memory_space<vmem>>
        %dma_start3A_178 = arith.constant 0 : i32
        %dma_start3A_179 = arith.constant 0 : i32
        %dma_start3A_180 = tpu.memref_slice %arg3[%dma_start3A_178, %dma_start3A_179] : memref<100000x768xf32, #tpu.memory_space<hbm>> -> memref<100000x768xf32, #tpu.memory_space<hbm>>
        %dma_start3A_181 = tpu.memref_slice %arg12[%rem3A_93] : memref<3x!tpu.dma_semaphore, #tpu.memory_space<semaphore_mem>> -> memref<1x!tpu.dma_semaphore, #tpu.memory_space<semaphore_mem>>
        %dma_start3A_182 = tpu.memref_squeeze %dma_start3A_181 : memref<1x!tpu.dma_semaphore, #tpu.memory_space<semaphore_mem>> -> memref<!tpu.dma_semaphore, #tpu.memory_space<semaphore_mem>>
        tpu.enqueue_indirect_dma source(%dma_start3A_180 : memref<100000x768xf32, #tpu.memory_space<hbm>>) target(%dma_start3A_177 : memref<16x768xf32, #tpu.memory_space<vmem>>) offsets(%get3A_173 : vector<16xi32>) semaphore(%dma_start3A_182 : memref<!tpu.dma_semaphore, #tpu.memory_space<semaphore_mem>>)
      } else {
      }
    }
    %scan3A_89 = arith.constant 32 : i32
    %mul3A_90 = arith.constant 512 : i32
    %mul3A_91 = arith.muli %add3A, %mul3A_90 : i32
    "tpu.region"() ({
      %run_scoped3A = tpu.sem_alloc : memref<!tpu.dma_semaphore, #tpu.memory_space<semaphore_mem>>
      %dma_start3A_92 = tpu.memref_slice %arg6[%mul3A_91] : memref<16384xf32, #tpu.memory_space<hbm>> -> memref<512xf32, #tpu.memory_space<hbm>>
      %dma_start3A_93 = tpu.memref_slice %arg6[%mul3A_91] : memref<16384xf32, #tpu.memory_space<hbm>> -> memref<512xf32, #tpu.memory_space<hbm>>
      tpu.enqueue_dma source(%arg11 : memref<512xf32, #tpu.memory_space<vmem>>) target(%dma_start3A_93 : memref<512xf32, #tpu.memory_space<hbm>>) target_semaphore(%run_scoped3A : memref<!tpu.dma_semaphore, #tpu.memory_space<semaphore_mem>>)
      %dma_wait3A = tpu.memref_slice %arg6[%mul3A_91] : memref<16384xf32, #tpu.memory_space<hbm>> -> memref<512xf32, #tpu.memory_space<hbm>>
      %dma_wait3A_94 = tpu.memref_slice %arg6[%mul3A_91] : memref<16384xf32, #tpu.memory_space<hbm>> -> memref<512xf32, #tpu.memory_space<hbm>>
      tpu.wait_dma2 semaphore(%run_scoped3A : memref<!tpu.dma_semaphore, #tpu.memory_space<semaphore_mem>>) src(%arg11 : memref<512xf32, #tpu.memory_space<vmem>>) dst(%dma_wait3A_94 : memref<512xf32, #tpu.memory_space<hbm>>)
      tpu.yield
    }) : () -> ()
    return
  }
}

</mosaic_0001>

<sc_bundles>
// kernel: kernel.3.cloned.1.call-start
scs
__scs_entry_jumppad:
0x0: {  	(pc) =	sbr.rel $0x88, $3  }
0x1: {  	(tag) =	ssettag $0x0;
	lr =	simm.s32 $0x1  }
0x2: {  	[smem:$0x3F9E] =	sst lr;
	_ =	strace $0xD0000000  }
0x3: {  	_ = 	snop  }
0x4: {  	_ = 	snop  }
0x5: {  	_ = 	snop  }
0x6: {  	_ = 	snop  }
0x7: {  	_ = 	snop  }
__scs_overlays_trampoline_lowered:
0x8: {  	[smem:$0x3FAD] =	sst s0  }
0x9: {  	[smem:$0x3FAE] =	sst s1  }
0xa: {  	[smem:$0x3FAF] =	sst s2  }
0xb: {  	[smem:$0x3FB0] =	sst s3  }
0xc: {  	[smem:$0x3FB1] =	sst s4  }
0xd: {  	[smem:$0x3FB2] =	sst s5  }
0xe: {  	[smem:$0x3FB3] =	sst s6  }
0xf: {  	[smem:$0x3FB4] =	sst s7  }
0x10: {  	[smem:$0x3FB5] =	sst s8  }
0x11: {  	[smem:$0x3FB6] =	sst s9;
	s0 =	simm.s32 @!p0 $0x0  }
0x12: {  	s1 =	sld [smem:$0x3F9C];
	s0 =	simm.s32 @p0 $0x1  }
0x13: {  	[smem:$0x3FB7] =	sst s0;
	s0 =	simm.s32 @!p1 $0x0  }
0x14: {  	s2 =	sld [smem:$0x3F9B];
	s0 =	simm.s32 @p1 $0x1  }
0x15: {  	[smem:$0x3FB8] =	sst s0;
	s0 =	simm.s32 @!p2 $0x0  }
0x16: {  	s3 =	sld [smem:$0x3FDB];
	s0 =	simm.s32 @p2 $0x1  }
0x17: {  	s4 =	simm.s32 $0x1BF5;
	[smem:$0x3FBA] =	sst s0  }
0x18: {  	s0 =	sld [smem:$0x3F9D];
	_ =	swait.ge [sflag:s4], $0x0  }
0x19: {  	s7 =	sld [smem:$0x3F9E]  }
0x1a: {  	s8 =	sadd.s32 $0xFFFFE003, lr  }
0x1b: {  	s9 =	sadd.s32 $0xFFFFFEF7, lr;
	s5 =	simm.s32 $0xFFFFFFFF;
	p2 =	slt.u32 s8, $0xFFFFF086  }
0x1c: {  	p1 =	slt.u32 s9, $0xF7A;
	s5 =	simm.s32 @!p2 $0x0  }
0x1d: {  	s5 =	simm.s32 @p1 $0x1;
	p0 =	seq.s32 s7, s2  }
0x1e: {  	s7 =	smul.u32 @!p0 $0xF7A, s2;
	p2 =	seq.s32 @!p0 s5, $0x0  }
0x1f: {  	s9 =	smul.u32 $0xF7A, s1;
	s8 =	simm.s32 @!p0 $0x1BF5;
	p2 =	por !p2, p0  }
0x20: {  	[sflag:s8] =	ssyncset.s32 @!p0 $0xFFFFF086;
	s6 =	sadd.s32 @!p0 s3, s7;
	s7 =	simm.s32 @!p0 $0x108  }
0x21: {  	s3 =	sadd.s32 s3, s9;
	s6 =	sadd.s32 @!p0 $0x88, s6;
	s7 =	simm.s32 @p2 $0x1082  }
0x22: {  	[simem:s7], [sflag:s8] =	dma.local @!p0 [hbm:s6], $0xF7A  }
0x23: {  	s9 =	sor.u32 $0xD0000000, s2;
	s6 =	simm.s32 $0x108;
	_ =	swait.ge @!p0 [sflag:s8], $0x0  }
0x24: {  	s3 =	sadd.s32 $0x88, s3;
	s6 =	simm.s32 @!p1 $0x1082;
	[sflag:s4] =	ssyncset.s32 $0xFFFFF086  }
0x25: {  	[simem:s6], [sflag:s4] =	dma.local [hbm:s3], $0xF7A  }
0x26: {  	[smem:$0x3F9E] =	sst s1;
	(tag) =	ssettag s2;
	_ =	strace s9  }
0x27: {  	s1 =	sld [smem:$0x3FAE]  }
0x28: {  	s2 =	sld [smem:$0x3FAF]  }
0x29: {  	s4 =	sld [smem:$0x3FB1]  }
0x2a: {  	p0 =	seq.s32 s5, $0x0;
	s5 =	sld [smem:$0x3FB2]  }
0x2b: {  	s6 =	sld [smem:$0x3FB3]  }
0x2c: {  	s7 =	sld [smem:$0x3FB4]  }
0x2d: {  	s3 =	simm.s32 $0x108;
	s8 =	sld [smem:$0x3FB5]  }
0x2e: {  	s3 =	simm.s32 @!p0 $0x1082;
	s9 =	sld [smem:$0x3FB6]  }
0x2f: {  	lr =	sadd.s32 s0, s3;
	s0 =	sld [smem:$0x3FAD]  }
0x30: {  	s3 =	sld [smem:$0x3FB0]  }
0x31: {  	[smem:$0x3FB9] =	sst s10  }
0x32: {  	s10 =	sld [smem:$0x3FB7];
	_ =	sdelay $0x3  }
0x33: {  	p0 =	seq.s32 s10, $0x1;
	s10 =	sld [smem:$0x3FB9];
	_ =	sdelay $0x3  }
0x34: {  	[smem:$0x3FB9] =	sst s10  }
0x35: {  	s10 =	sld [smem:$0x3FB8];
	_ =	sdelay $0x3  }
0x36: {  	p1 =	seq.s32 s10, $0x1;
	s10 =	sld [smem:$0x3FB9];
	_ =	sdelay $0x3  }
0x37: {  	[smem:$0x3FB9] =	sst s10  }
0x38: {  	s10 =	sld [smem:$0x3FBA]  }
0x39: {  	_ = 	snop;
	(pc) =	sbr.ind lr, $3  }
0x3a: {  	_ = 	snop  }
0x3b: {  	_ = 	snop  }
0x3c: {  	p2 =	seq.s32 s10, $0x1;
	s10 =	sld [smem:$0x3FB9]  }
0x3d: {  	_ =	shalt  }
0x3e: {  	_ =	shalt  }
0x3f: {  	_ =	shalt  }
0x40: {  	_ =	shalt  }
0x41: {  	_ =	shalt  }
0x42: {  	_ =	shalt  }
0x43: {  	_ =	shalt  }
0x44: {  	_ =	shalt  }
0x45: {  	_ =	shalt  }
0x46: {  	_ =	shalt  }
0x47: {  	_ =	shalt  }
0x48: {  	_ =	shalt  }
0x49: {  	_ =	shalt  }
0x4a: {  	_ =	shalt  }
0x4b: {  	_ =	shalt  }
0x4c: {  	_ =	shalt  }
0x4d: {  	_ =	shalt  }
0x4e: {  	_ =	shalt  }
0x4f: {  	_ =	shalt  }
0x50: {  	_ =	shalt  }
0x51: {  	_ =	shalt  }
0x52: {  	_ =	shalt  }
0x53: {  	_ =	shalt  }
0x54: {  	_ =	shalt  }
0x55: {  	_ =	shalt  }
0x56: {  	_ =	shalt  }
0x57: {  	_ =	shalt  }
0x58: {  	_ =	shalt  }
0x59: {  	_ =	shalt  }
0x5a: {  	_ =	shalt  }
0x5b: {  	_ =	shalt  }
0x5c: {  	_ =	shalt  }
0x5d: {  	_ =	shalt  }
0x5e: {  	_ =	shalt  }
0x5f: {  	_ =	shalt  }
0x60: {  	_ =	shalt  }
0x61: {  	_ =	shalt  }
0x62: {  	_ =	shalt  }
0x63: {  	_ =	shalt  }
0x64: {  	_ =	shalt  }
0x65: {  	_ =	shalt  }
0x66: {  	_ =	shalt  }
0x67: {  	_ =	shalt  }
0x68: {  	_ =	shalt  }
0x69: {  	_ =	shalt  }
0x6a: {  	_ =	shalt  }
0x6b: {  	_ =	shalt  }
0x6c: {  	_ =	shalt  }
0x6d: {  	_ =	shalt  }
0x6e: {  	_ =	shalt  }
0x6f: {  	_ =	shalt  }
0x70: {  	_ =	shalt  }
0x71: {  	_ =	shalt  }
0x72: {  	_ =	shalt  }
0x73: {  	_ =	shalt  }
0x74: {  	_ =	shalt  }
0x75: {  	_ =	shalt  }
0x76: {  	_ =	shalt  }
0x77: {  	_ =	shalt  }
0x78: {  	_ =	shalt  }
0x79: {  	_ =	shalt  }
0x7a: {  	_ =	shalt  }
0x7b: {  	_ =	shalt  }
0x7c: {  	_ =	shalt  }
0x7d: {  	_ =	shalt  }
0x7e: {  	_ =	shalt  }
0x7f: {  	_ =	shalt  }
0x80: {  	_ =	shalt  }
0x81: {  	_ =	shalt  }
0x82: {  	_ =	shalt  }
0x83: {  	_ =	shalt  }
0x84: {  	_ =	shalt  }
0x85: {  	_ =	shalt  }
0x86: {  	_ =	shalt  }
0x87: {  	_ =	shalt  }
.Lfunc_end0:
.L_simem_size_0:
called_computation_lowered:
.L_overlay_start_0:
0x88: {  	s2 =	sld [smem:$0x3FD9]  }
0x89: {  	s3 =	sld [smem:$0x3FFE];
	_ =	sdelay $0x1  }
0x8a: {  	s1 =	srdreg.scid  }
0x8b: {  	s0 =	sand.u32 $0x1, s1  }
0x8c: {  	s17 =	sshll.u32 s0, $0xA;
	s2 =	sadd.s32 s3, s2  }
0x8d: {  	s2 =	sadd.s32 s2, s17  }
0x8e: {  	[smem:$0x3FC5] =	sst s2  }
0x8f: {  	_ = 	snop  }
0x90: {  	s2 =	sld [smem:$0x3FC8]  }
0x91: {  	s18 =	sld [smem:$0x3FC7]  }
0x92: {  	s4 =	sld [smem:$0x3FD0];
	(tm) =	ssettm $0x1  }
0x93: {  	s5 =	sld [smem:$0x3FFB];
	_ =	sdelay $0x3  }
0x94: {  	_ =	strace s5  }
0x95: {  	s5 =	sld [smem:$0x3FFC];
	_ =	sdelay $0x3  }
0x96: {  	_ =	strace s5  }
0x97: {  	s5 =	sld [smem:$0x3FFD];
	_ =	sdelay $0x3  }
0x98: {  	_ =	strace s5  }
0x99: {  	_ =	strace $0x8FFFFFFF  }
0x9a: {  	s19 =	sld [smem:$0x3FDB];
	_ =	sdelay $0x1  }
0x9b: {  	s6 =	simm.s32 $_scs_section_size  }
0x9c: {  	s7 =	simm.s32 $_size__tile_overlayer_lowered;
	s8 =	simm.s32 $_tile_overlayer_lowered  }
0x9d: {  	s22 =	simm.s32 $0x1BFF;
	s21 =	sshll.u32 s8, $0x1;
	s5 =	sadd.s32 s6, s19  }
0x9e: {  	s9 =	simm.s32 $0x0;
	s20 =	sshll.u32 s7, $0x1;
	s7 =	sadd.s32 s21, s5  }
0x9f: {  	[timem:s9], [sflag:s22] =	dma.local [hbm:s7], s20  }
0xa0: {  	_ =	swait.ge [sflag:s22], s20  }
0xa1: {  	s6 =	ssub.s32 $0x0, s20;
	[sflag:s22] =	ssyncset.done $0x0  }
0xa2: {  	[sflag:s22] =	ssyncadd.s32 s6;
	_ =	sdelay $0x1  }
0xa3: {  	s23 =	simm.s32 $0x1B8B  }
0xa4: {  	_ =	swait.ge [sflag:s23], $0x1  }
0xa5: {  	[sflag:s23] =	ssyncset.done $0x0  }
0xa6: {  	s25 =	simm.s32 $0x1B8E;
	s24 =	sld [smem:$0x3FFE];
	[sflag:s23] =	ssyncadd.s32 $0xFFFFFFFF  }
0xa7: {  	s26 =	simm.s32 $execute0_lowered;
	[smem:$0x3FD2] =	sst s25  }
0xa8: {  	s7 =	sshll.u32 s26, $0x1;
	_ =	strace $0x80000046;
	[dreg:$0x1] =	wrdreg $0xFFFFFFFF  }
0xa9: {  	s28 =	simm.s32 $_size_execute0_lowered;
	s5 =	sadd.s32 s5, s7;
	[dreg:$0x0] =	wrdreg $0x0  }
0xaa: {  	s7 =	sshll.u32 s28, $0x1;
	[dreg:$0x2] =	wrdreg s5  }
0xab: {  	[dreg:$0x3] =	wrdreg s7  }
0xac: {  	[dreg:$0x4] =	wrdreg $0xC0  }
0xad: {  	_ =	task [dreg:s9], $0x5FFFF  }
0xae: {  	[dreg:$0x1] =	wrdreg $0xFFFFFFFF  }
0xaf: {  	[dreg:$0x0] =	wrdreg $0x60  }
0xb0: {  	[dreg:$0x2] =	wrdreg s2  }
0xb1: {  	[dreg:$0x3] =	wrdreg s18  }
0xb2: {  	[dreg:$0x4] =	wrdreg s24  }
0xb3: {  	[dreg:$0x5] =	wrdreg s4  }
0xb4: {  	[dreg:$0x6] =	wrdreg $0x9  }
0xb5: {  	_ =	task.clear_ibuf [dreg:s9], $0x7FFFF;
	_ =	strace $0x90000046  }
0xb6: {  	s29 =	simm.s32 $0x9;
	_ =	strace $0x80000048  }
0xb7: {  	_ =	swait.ge [sflag:s29], $0x1  }
0xb8: {  	[sflag:s29] =	ssyncadd.s32 $0xFFFFFFFF  }
0xb9: {  	_ =	strace $0x90000048  }
0xba: {  	_ =	sfence  }
0xbb: {  	s30 =	sld [smem:$0x0];
	_ =	sdelay $0x2  }
0xbc: {  	s31 =	sshll.u32 s1, $0xD;
	s1 =	sshrl.u32 s1, $0x2  }
0xbd: {  	s3 =	sand.u32 $0x4000, s31;
	s1 =	sadd.s32 s1, s30  }
0xbe: {  	s0 =	sor.u32 s3, s0;
	s1 =	sshll.u32 s1, $0x11  }
0xbf: {  	s0 =	sor.u32 s1, s0  }
0xc0: {  	s0 =	sadd.s32 $0x8F2B, s0  }
0xc1: {  	[sflag:s0] =	ssyncadd.remote.s32 $0x1  }
0xc2: {  	_ =	sfence.sel $0xFFFF  }
0xc3: {  	[dreg:$0x0] =	wrdreg $0xFFFFFFFF;
	(pc) =	sbr.abs _section_cstart, $3  }
0xc4: {  	[dreg:$0x1] =	wrdreg $0xFFFFFFFF  }
0xc5: {  	_ =	task.clear_ibuf [dreg:s9], $0x2FFFF;
	_ =	strace $0x9FFFFFFF  }
0xc6: {  	(tm) =	ssettm $0x7FFFFFFF  }
0xc7: {  	_ =	shalt  }
tec
execute0_lowered:
.L_overlay_start_1:
0x0: {  	(tag) =	ssettag $0x1  }
0x1: {  	s1 =	rddreg [dreg:$0x0]  }
0x2: {  	s2 =	rddreg [dreg:$0x1]  }
0x3: {  	s0 =	rddreg [dreg:$0x2]  }
0x4: {  	s3 =	rddreg [dreg:$0x3];
	s5 =	srdreg.scid  }
0x5: {  	s6 =	stileid.u32;
	s4 =	simm.s32 $0x0;
	s13 =	simm.s32 $0x4  }
0x6: {  	s29 =	simm.s32 $0x1A600;
	s30 =	simm.s32 $0x1AE00;
	s31 =	simm.s32 $0x1B600  }
0x7: {  	s5 =	sand.u32 $0x1, s5;
	s6 =	sshll.u32 s6, $0x1;
	[smem:$0x7FF] =	sst s4  }
0x8: {  	s9 =	sadd.s32 $0x100, s2;
	s10 =	sadd.s32 $0x200, s2;
	s6 =	sor.u32 s5, s6  }
.Ltmp0:
0x9: {  	_ =	strace $0x80000047;
	s5 =	ssub.s32 $0x2, s5;
	(pc) =	sbr.rel .LBB2_1-.Ltmp0, $4  }
0xa: {  	s7 =	sshll.u32 s6, $0x7;
	s8 =	sshrl.u32 s5, $0x1;
	s11 =	sshll.u32 s6, $0x6  }
0xb: {  	v0 =	vlaneseq.u32;
	s7 =	sadd.s32 s7, s0;
	s12 =	ssub.s32 s5, s8;
	s6 =	sadd.s32 s0, s11  }
0xc: {  	vm0 =	vmmov $0xffff;
	v2 =	vshrl.u32 v0, $0x3;
	s8 =	sadd.s32 $0x200, s1;
	s11 =	sadd.s32 s3, s11;
	s0 =	simm.s32 $0x0  }
0xd: {  	v1 =	vand.u32 $0x7, v0;
	v3 =	vor.u32 $0x8, v0;
	v2 =	vmul.u32 $0x8, v2;
	s5 =	sadd.s32 $0x800, s7;
	s7 =	sadd.s32 $0x100, s1;
	s12 =	smax.u32 s12, $0x1  }
.LBB2_9:
0xe: {  	s0 =	sadd.s32 $0x1, s0  }
0xf: {  	p0 =	sne.s32 s0, s12  }
.Ltmp1:
0x10: {  	_ = 	snop;
	(pc) =	sbr.rel @!p0 .LBB2_10-.Ltmp1, $4  }
0x11: {  	[hbm4b:s11+s4] =	stream.linear.scatter [tilespmem:s31], [sflag:$0x4], $0x200, $0x38;
	[tilespmem:$0x1B800] =	vst v63  }
0x12: {  	_ =	swait.ge [sflag:s13], $0x200  }
0x13: {  	[sflag:s13] =	ssyncset.done $0x0  }
0x14: {  	[sflag:s13] =	ssyncadd.s32 $0xFFFFFE00  }
.LBB2_1:
0x15: {  	[tilespmem:s4], [sflag:$0x4] =	stream.linear.gather [hbm4b:s5+s4], $0x400, $0x38;
	[tilespmem:$0x1B800] =	vst v63  }
0x16: {  	_ =	swait.ge [sflag:s13], $0x400  }
0x17: {  	[sflag:s13] =	ssyncset.done $0x0  }
0x18: {  	s3 =	simm.s32 $0x400;
	[sflag:s13] =	ssyncadd.s32 $0xFFFFFC00  }
0x19: {  	[tilespmem:s3], [sflag:$0x4] =	stream.linear.gather [hbm4b:s6+s4], $0x200, $0x38;
	[tilespmem:$0x1B800] =	vst v63  }
0x1a: {  	_ =	swait.ge [sflag:s13], $0x200  }
0x1b: {  	[sflag:s13] =	ssyncset.done $0x0  }
0x1c: {  	[sflag:s13] =	ssyncadd.s32 $0xFFFFFE00  }
0x1d: {  	v4 =	vld [tilespmem:$0x0];
	_ =	sdelay $0x4  }
0x1e: {  	v5 =	vshrl.u32 v4, $0x3  }
0x1f: {  	v5 =	vmul.u32 $0x30, v5  }
0x20: {  	v4 =	vand.u32 $0x7, v4  }
0x21: {  	v4 =	vor.u32 v4, v5  }
0x22: {  	v5 =	vperm.xlane v4, v1;
	_ =	sdelay $0x1  }
0x23: {  	v5 =	vadd.s32 v2, v5;
	_ =	sdelay $0x3  }
0x24: {  	s18 =	simm.s32 $0x600;
	v4 =	vperm.xlane v4, v3  }
0x25: {  	[tilespmem:s18], [sflag:$0x1] =	stream.indirect_vreg.gather [hbm4b:s1+s4], $0x80, v5, vm0, $0xb8;
	[tilespmem:$0x1B800] =	vst v63  }
0x26: {  	s19 =	simm.s32 $0xE00;
	v4 =	vadd.s32 v2, v4  }
0x27: {  	[tilespmem:s19], [sflag:$0x1] =	stream.indirect_vreg.gather [hbm4b:s7+s4], $0x80, v5, vm0, $0xb8;
	[tilespmem:$0x1B800] =	vst v63  }
0x28: {  	s20 =	simm.s32 $0x1600  }
0x29: {  	[tilespmem:s20], [sflag:$0x1] =	stream.indirect_vreg.gather [hbm4b:s8+s4], $0x80, v5, vm0, $0xb8;
	[tilespmem:$0x1B800] =	vst v63  }
0x2a: {  	s21 =	simm.s32 $0x1E00  }
0x2b: {  	[tilespmem:s21], [sflag:$0x1] =	stream.indirect_vreg.gather [hbm4b:s1+s4], $0x80, v4, vm0, $0xb8;
	[tilespmem:$0x1B800] =	vst v63  }
0x2c: {  	s22 =	simm.s32 $0x2600  }
0x2d: {  	[tilespmem:s22], [sflag:$0x1] =	stream.indirect_vreg.gather [hbm4b:s7+s4], $0x80, v4, vm0, $0xb8;
	[tilespmem:$0x1B800] =	vst v63  }
0x2e: {  	s23 =	simm.s32 $0x2E00  }
0x2f: {  	[tilespmem:s23], [sflag:$0x1] =	stream.indirect_vreg.gather [hbm4b:s8+s4], $0x80, v4, vm0, $0xb8;
	[tilespmem:$0x1B800] =	vst v63  }
0x30: {  	v4 =	vld [tilespmem:$0x10];
	_ =	sdelay $0x4  }
0x31: {  	v5 =	vshrl.u32 v4, $0x3  }
0x32: {  	v5 =	vmul.u32 $0x30, v5  }
0x33: {  	v4 =	vand.u32 $0x7, v4  }
0x34: {  	v4 =	vor.u32 v4, v5  }
0x35: {  	v5 =	vperm.xlane v4, v1;
	_ =	sdelay $0x1  }
0x36: {  	v5 =	vadd.s32 v2, v5;
	_ =	sdelay $0x3  }
0x37: {  	s24 =	simm.s32 $0x3600;
	v4 =	vperm.xlane v4, v3  }
0x38: {  	[tilespmem:s24], [sflag:$0x1] =	stream.indirect_vreg.gather [hbm4b:s1+s4], $0x80, v5, vm0, $0xb8;
	[tilespmem:$0x1B800] =	vst v63  }
0x39: {  	s25 =	simm.s32 $0x3E00;
	v4 =	vadd.s32 v2, v4  }
0x3a: {  	[tilespmem:s25], [sflag:$0x1] =	stream.indirect_vreg.gather [hbm4b:s7+s4], $0x80, v5, vm0, $0xb8;
	[tilespmem:$0x1B800] =	vst v63  }
0x3b: {  	s26 =	simm.s32 $0x4600  }
0x3c: {  	[tilespmem:s26], [sflag:$0x1] =	stream.indirect_vreg.gather [hbm4b:s8+s4], $0x80, v5, vm0, $0xb8;
	[tilespmem:$0x1B800] =	vst v63  }
0x3d: {  	s28 =	simm.s32 $0x4E00  }
0x3e: {  	[tilespmem:s28], [sflag:$0x1] =	stream.indirect_vreg.gather [hbm4b:s1+s4], $0x80, v4, vm0, $0xb8;
	[tilespmem:$0x1B800] =	vst v63  }
0x3f: {  	s14 =	simm.s32 $0x5600  }
0x40: {  	[tilespmem:s14], [sflag:$0x1] =	stream.indirect_vreg.gather [hbm4b:s7+s4], $0x80, v4, vm0, $0xb8;
	[tilespmem:$0x1B800] =	vst v63  }
0x41: {  	s15 =	simm.s32 $0x5E00  }
0x42: {  	[tilespmem:s15], [sflag:$0x1] =	stream.indirect_vreg.gather [hbm4b:s8+s4], $0x80, v4, vm0, $0xb8;
	[tilespmem:$0x1B800] =	vst v63  }
0x43: {  	v4 =	vld [tilespmem:$0x400];
	_ =	sdelay $0x4  }
0x44: {  	v5 =	vshrl.u32 v4, $0x3  }
0x45: {  	v5 =	vmul.u32 $0x30, v5  }
0x46: {  	v4 =	vand.u32 $0x7, v4  }
0x47: {  	v4 =	vor.u32 v4, v5  }
0x48: {  	v5 =	vperm.xlane v4, v1;
	_ =	sdelay $0x1  }
0x49: {  	v5 =	vadd.s32 v2, v5;
	_ =	sdelay $0x3  }
0x4a: {  	s3 =	simm.s32 $0x12600;
	v4 =	vperm.xlane v4, v3  }
0x4b: {  	[tilespmem:s3], [sflag:$0x1] =	stream.indirect_vreg.gather [hbm4b:s2+s4], $0x80, v5, vm0, $0xb8;
	[tilespmem:$0x1B800] =	vst v63  }
0x4c: {  	s14 =	simm.s32 $0x12E00;
	v4 =	vadd.s32 v2, v4  }
0x4d: {  	[tilespmem:s14], [sflag:$0x1] =	stream.indirect_vreg.gather [hbm4b:s9+s4], $0x80, v5, vm0, $0xb8;
	[tilespmem:$0x1B800] =	vst v63  }
0x4e: {  	s16 =	simm.s32 $0x13600  }
0x4f: {  	[tilespmem:s16], [sflag:$0x1] =	stream.indirect_vreg.gather [hbm4b:s10+s4], $0x80, v5, vm0, $0xb8;
	[tilespmem:$0x1B800] =	vst v63  }
0x50: {  	s17 =	simm.s32 $0x13E00  }
0x51: {  	[tilespmem:s17], [sflag:$0x1] =	stream.indirect_vreg.gather [hbm4b:s2+s4], $0x80, v4, vm0, $0xb8;
	[tilespmem:$0x1B800] =	vst v63  }
0x52: {  	s18 =	simm.s32 $0x14600  }
0x53: {  	[tilespmem:s18], [sflag:$0x1] =	stream.indirect_vreg.gather [hbm4b:s9+s4], $0x80, v4, vm0, $0xb8;
	[tilespmem:$0x1B800] =	vst v63  }
0x54: {  	s19 =	simm.s32 $0x14E00  }
0x55: {  	[tilespmem:s19], [sflag:$0x1] =	stream.indirect_vreg.gather [hbm4b:s10+s4], $0x80, v4, vm0, $0xb8;
	[tilespmem:$0x1B800] =	vst v63  }
0x56: {  	v4 =	vld [tilespmem:$0x20];
	_ =	sdelay $0x4  }
0x57: {  	v5 =	vshrl.u32 v4, $0x3  }
0x58: {  	v5 =	vmul.u32 $0x30, v5  }
0x59: {  	v4 =	vand.u32 $0x7, v4  }
0x5a: {  	v4 =	vor.u32 v4, v5  }
0x5b: {  	v5 =	vperm.xlane v4, v1;
	_ =	sdelay $0x1  }
0x5c: {  	v5 =	vadd.s32 v2, v5;
	_ =	sdelay $0x3  }
0x5d: {  	s20 =	simm.s32 $0x6600;
	v4 =	vperm.xlane v4, v3  }
0x5e: {  	[tilespmem:s20], [sflag:$0x2] =	stream.indirect_vreg.gather [hbm4b:s1+s4], $0x80, v5, vm0, $0xb8;
	[tilespmem:$0x1B800] =	vst v63  }
0x5f: {  	s21 =	simm.s32 $0x6E00;
	v4 =	vadd.s32 v2, v4  }
0x60: {  	[tilespmem:s21], [sflag:$0x2] =	stream.indirect_vreg.gather [hbm4b:s7+s4], $0x80, v5, vm0, $0xb8;
	[tilespmem:$0x1B800] =	vst v63  }
0x61: {  	s22 =	simm.s32 $0x7600  }
0x62: {  	[tilespmem:s22], [sflag:$0x2] =	stream.indirect_vreg.gather [hbm4b:s8+s4], $0x80, v5, vm0, $0xb8;
	[tilespmem:$0x1B800] =	vst v63  }
0x63: {  	s23 =	simm.s32 $0x7E00  }
0x64: {  	[tilespmem:s23], [sflag:$0x2] =	stream.indirect_vreg.gather [hbm4b:s1+s4], $0x80, v4, vm0, $0xb8;
	[tilespmem:$0x1B800] =	vst v63  }
0x65: {  	s24 =	simm.s32 $0x8600  }
0x66: {  	[tilespmem:s24], [sflag:$0x2] =	stream.indirect_vreg.gather [hbm4b:s7+s4], $0x80, v4, vm0, $0xb8;
	[tilespmem:$0x1B800] =	vst v63  }
0x67: {  	s25 =	simm.s32 $0x8E00  }
0x68: {  	[tilespmem:s25], [sflag:$0x2] =	stream.indirect_vreg.gather [hbm4b:s8+s4], $0x80, v4, vm0, $0xb8;
	[tilespmem:$0x1B800] =	vst v63  }
0x69: {  	v4 =	vld [tilespmem:$0x30];
	_ =	sdelay $0x4  }
0x6a: {  	v5 =	vshrl.u32 v4, $0x3  }
0x6b: {  	v5 =	vmul.u32 $0x30, v5  }
0x6c: {  	v4 =	vand.u32 $0x7, v4  }
0x6d: {  	v4 =	vor.u32 v4, v5  }
0x6e: {  	v5 =	vperm.xlane v4, v1;
	_ =	sdelay $0x1  }
0x6f: {  	v5 =	vadd.s32 v2, v5;
	_ =	sdelay $0x3  }
0x70: {  	s26 =	simm.s32 $0x9600;
	v4 =	vperm.xlane v4, v3  }
0x71: {  	[tilespmem:s26], [sflag:$0x2] =	stream.indirect_vreg.gather [hbm4b:s1+s4], $0x80, v5, vm0, $0xb8;
	[tilespmem:$0x1B800] =	vst v63  }
0x72: {  	s28 =	simm.s32 $0x9E00;
	v4 =	vadd.s32 v2, v4  }
0x73: {  	[tilespmem:s28], [sflag:$0x2] =	stream.indirect_vreg.gather [hbm4b:s7+s4], $0x80, v5, vm0, $0xb8;
	[tilespmem:$0x1B800] =	vst v63  }
0x74: {  	s15 =	simm.s32 $0xA600  }
0x75: {  	[tilespmem:s15], [sflag:$0x2] =	stream.indirect_vreg.gather [hbm4b:s8+s4], $0x80, v5, vm0, $0xb8;
	[tilespmem:$0x1B800] =	vst v63  }
0x76: {  	s16 =	simm.s32 $0xAE00  }
0x77: {  	[tilespmem:s16], [sflag:$0x2] =	stream.indirect_vreg.gather [hbm4b:s1+s4], $0x80, v4, vm0, $0xb8;
	[tilespmem:$0x1B800] =	vst v63  }
0x78: {  	s17 =	simm.s32 $0xB600  }
0x79: {  	[tilespmem:s17], [sflag:$0x2] =	stream.indirect_vreg.gather [hbm4b:s7+s4], $0x80, v4, vm0, $0xb8;
	[tilespmem:$0x1B800] =	vst v63  }
0x7a: {  	s18 =	simm.s32 $0xBE00  }
0x7b: {  	[tilespmem:s18], [sflag:$0x2] =	stream.indirect_vreg.gather [hbm4b:s8+s4], $0x80, v4, vm0, $0xb8;
	[tilespmem:$0x1B800] =	vst v63  }
0x7c: {  	v4 =	vld [tilespmem:$0x410];
	_ =	sdelay $0x4  }
0x7d: {  	v5 =	vshrl.u32 v4, $0x3  }
0x7e: {  	v5 =	vmul.u32 $0x30, v5  }
0x7f: {  	v4 =	vand.u32 $0x7, v4  }
0x80: {  	v4 =	vor.u32 v4, v5  }
0x81: {  	v5 =	vperm.xlane v4, v1;
	_ =	sdelay $0x1  }
0x82: {  	v5 =	vadd.s32 v2, v5;
	_ =	sdelay $0x3  }
0x83: {  	s19 =	simm.s32 $0x15600;
	v4 =	vperm.xlane v4, v3  }
0x84: {  	[tilespmem:s19], [sflag:$0x2] =	stream.indirect_vreg.gather [hbm4b:s2+s4], $0x80, v5, vm0, $0xb8;
	[tilespmem:$0x1B800] =	vst v63  }
0x85: {  	s20 =	simm.s32 $0x15E00;
	v4 =	vadd.s32 v2, v4  }
0x86: {  	[tilespmem:s20], [sflag:$0x2] =	stream.indirect_vreg.gather [hbm4b:s9+s4], $0x80, v5, vm0, $0xb8;
	[tilespmem:$0x1B800] =	vst v63  }
0x87: {  	s21 =	simm.s32 $0x16600  }
0x88: {  	[tilespmem:s21], [sflag:$0x2] =	stream.indirect_vreg.gather [hbm4b:s10+s4], $0x80, v5, vm0, $0xb8;
	[tilespmem:$0x1B800] =	vst v63  }
0x89: {  	s22 =	simm.s32 $0x16E00  }
0x8a: {  	[tilespmem:s22], [sflag:$0x2] =	stream.indirect_vreg.gather [hbm4b:s2+s4], $0x80, v4, vm0, $0xb8;
	[tilespmem:$0x1B800] =	vst v63  }
0x8b: {  	s23 =	simm.s32 $0x17600  }
0x8c: {  	[tilespmem:s23], [sflag:$0x2] =	stream.indirect_vreg.gather [hbm4b:s9+s4], $0x80, v4, vm0, $0xb8;
	[tilespmem:$0x1B800] =	vst v63  }
0x8d: {  	s24 =	simm.s32 $0x17E00  }
0x8e: {  	[tilespmem:s24], [sflag:$0x2] =	stream.indirect_vreg.gather [hbm4b:s10+s4], $0x80, v4, vm0, $0xb8;
	[tilespmem:$0x1B800] =	vst v63  }
0x8f: {  	v4 =	vld [tilespmem:$0x40];
	_ =	sdelay $0x4  }
0x90: {  	v5 =	vshrl.u32 v4, $0x3  }
0x91: {  	v5 =	vmul.u32 $0x30, v5  }
0x92: {  	v4 =	vand.u32 $0x7, v4  }
0x93: {  	v4 =	vor.u32 v4, v5  }
0x94: {  	v5 =	vperm.xlane v4, v1;
	_ =	sdelay $0x1  }
0x95: {  	v5 =	vadd.s32 v2, v5;
	_ =	sdelay $0x3  }
0x96: {  	s25 =	simm.s32 $0xC600;
	v4 =	vperm.xlane v4, v3  }
0x97: {  	[tilespmem:s25], [sflag:$0x3] =	stream.indirect_vreg.gather [hbm4b:s1+s4], $0x80, v5, vm0, $0xb8;
	[tilespmem:$0x1B800] =	vst v63  }
0x98: {  	s26 =	simm.s32 $0xCE00;
	v4 =	vadd.s32 v2, v4  }
0x99: {  	[tilespmem:s26], [sflag:$0x3] =	stream.indirect_vreg.gather [hbm4b:s7+s4], $0x80, v5, vm0, $0xb8;
	[tilespmem:$0x1B800] =	vst v63  }
0x9a: {  	s28 =	simm.s32 $0xD600  }
0x9b: {  	[tilespmem:s28], [sflag:$0x3] =	stream.indirect_vreg.gather [hbm4b:s8+s4], $0x80, v5, vm0, $0xb8;
	[tilespmem:$0x1B800] =	vst v63  }
0x9c: {  	s15 =	simm.s32 $0xDE00  }
0x9d: {  	[tilespmem:s15], [sflag:$0x3] =	stream.indirect_vreg.gather [hbm4b:s1+s4], $0x80, v4, vm0, $0xb8;
	[tilespmem:$0x1B800] =	vst v63  }
0x9e: {  	s16 =	simm.s32 $0xE600  }
0x9f: {  	[tilespmem:s16], [sflag:$0x3] =	stream.indirect_vreg.gather [hbm4b:s7+s4], $0x80, v4, vm0, $0xb8;
	[tilespmem:$0x1B800] =	vst v63  }
0xa0: {  	s17 =	simm.s32 $0xEE00  }
0xa1: {  	[tilespmem:s17], [sflag:$0x3] =	stream.indirect_vreg.gather [hbm4b:s8+s4], $0x80, v4, vm0, $0xb8;
	[tilespmem:$0x1B800] =	vst v63  }
0xa2: {  	v4 =	vld [tilespmem:$0x50];
	_ =	sdelay $0x4  }
0xa3: {  	v5 =	vshrl.u32 v4, $0x3  }
0xa4: {  	v5 =	vmul.u32 $0x30, v5  }
0xa5: {  	v4 =	vand.u32 $0x7, v4  }
0xa6: {  	v4 =	vor.u32 v4, v5  }
0xa7: {  	v5 =	vperm.xlane v4, v1;
	_ =	sdelay $0x1  }
0xa8: {  	v5 =	vadd.s32 v2, v5;
	_ =	sdelay $0x3  }
0xa9: {  	s18 =	simm.s32 $0xF600;
	v4 =	vperm.xlane v4, v3  }
0xaa: {  	[tilespmem:s18], [sflag:$0x3] =	stream.indirect_vreg.gather [hbm4b:s1+s4], $0x80, v5, vm0, $0xb8;
	[tilespmem:$0x1B800] =	vst v63  }
0xab: {  	s19 =	simm.s32 $0xFE00;
	v4 =	vadd.s32 v2, v4  }
0xac: {  	[tilespmem:s19], [sflag:$0x3] =	stream.indirect_vreg.gather [hbm4b:s7+s4], $0x80, v5, vm0, $0xb8;
	[tilespmem:$0x1B800] =	vst v63  }
0xad: {  	s20 =	simm.s32 $0x10600  }
0xae: {  	[tilespmem:s20], [sflag:$0x3] =	stream.indirect_vreg.gather [hbm4b:s8+s4], $0x80, v5, vm0, $0xb8;
	[tilespmem:$0x1B800] =	vst v63  }
0xaf: {  	s21 =	simm.s32 $0x10E00  }
0xb0: {  	[tilespmem:s21], [sflag:$0x3] =	stream.indirect_vreg.gather [hbm4b:s1+s4], $0x80, v4, vm0, $0xb8;
	[tilespmem:$0x1B800] =	vst v63  }
0xb1: {  	s22 =	simm.s32 $0x11600  }
0xb2: {  	[tilespmem:s22], [sflag:$0x3] =	stream.indirect_vreg.gather [hbm4b:s7+s4], $0x80, v4, vm0, $0xb8;
	[tilespmem:$0x1B800] =	vst v63  }
0xb3: {  	s23 =	simm.s32 $0x11E00  }
0xb4: {  	[tilespmem:s23], [sflag:$0x3] =	stream.indirect_vreg.gather [hbm4b:s8+s4], $0x80, v4, vm0, $0xb8;
	[tilespmem:$0x1B800] =	vst v63  }
0xb5: {  	v4 =	vld [tilespmem:$0x420];
	_ =	sdelay $0x4  }
0xb6: {  	v5 =	vshrl.u32 v4, $0x3  }
0xb7: {  	v5 =	vmul.u32 $0x30, v5  }
0xb8: {  	v4 =	vand.u32 $0x7, v4  }
0xb9: {  	v4 =	vor.u32 v4, v5  }
0xba: {  	v5 =	vperm.xlane v4, v1;
	_ =	sdelay $0x1  }
0xbb: {  	v5 =	vadd.s32 v2, v5;
	_ =	sdelay $0x3  }
0xbc: {  	s24 =	simm.s32 $0x18600;
	v4 =	vperm.xlane v4, v3  }
0xbd: {  	[tilespmem:s24], [sflag:$0x3] =	stream.indirect_vreg.gather [hbm4b:s2+s4], $0x80, v5, vm0, $0xb8;
	[tilespmem:$0x1B800] =	vst v63  }
0xbe: {  	s25 =	simm.s32 $0x18E00;
	v4 =	vadd.s32 v2, v4  }
0xbf: {  	[tilespmem:s25], [sflag:$0x3] =	stream.indirect_vreg.gather [hbm4b:s9+s4], $0x80, v5, vm0, $0xb8;
	[tilespmem:$0x1B800] =	vst v63  }
0xc0: {  	s26 =	simm.s32 $0x19600  }
0xc1: {  	[tilespmem:s26], [sflag:$0x3] =	stream.indirect_vreg.gather [hbm4b:s10+s4], $0x80, v5, vm0, $0xb8;
	[tilespmem:$0x1B800] =	vst v63  }
0xc2: {  	s28 =	simm.s32 $0x19E00  }
0xc3: {  	[tilespmem:s28], [sflag:$0x3] =	stream.indirect_vreg.gather [hbm4b:s2+s4], $0x80, v4, vm0, $0xb8;
	[tilespmem:$0x1B800] =	vst v63  }
.Ltmp2:
0xc4: {  	_ = 	snop;
	(pc) =	sbr.rel .LBB2_2-.Ltmp2, $4  }
0xc5: {  	_ = 	snop  }
0xc6: {  	[tilespmem:s29], [sflag:$0x3] =	stream.indirect_vreg.gather [hbm4b:s9+s4], $0x80, v4, vm0, $0xb8;
	[tilespmem:$0x1B800] =	vst v63  }
0xc7: {  	s14 =	simm.s32 $0x3670;
	s15 =	simm.s32 $0x0  }
0xc8: {  	[tilespmem:s30], [sflag:$0x3] =	stream.indirect_vreg.gather [hbm4b:s10+s4], $0x80, v4, vm0, $0xb8;
	[tilespmem:$0x1B800] =	vst v63  }
.LBB2_8:
0xc9: {  	s15 =	sadd.s32 $0x1, s15  }
0xca: {  	p0 =	sne.s32 s15, $0x20  }
.Ltmp3:
0xcb: {  	_ = 	snop;
	(pc) =	sbr.rel @!p0 .LBB2_9-.Ltmp3, $2  }
0xcc: {  	_ =	sdelay $0x2  }
0xcd: {  	s3 =	sadd.s32 $0x3000, s3;
	s14 =	sadd.s32 $0x6000, s14  }
.LBB2_2:
0xce: {  	s16 =	smul.u32 $0xAB, s15;
	_ =	sdelay $0x1  }
0xcf: {  	s16 =	sshrl.u32 s16, $0x9  }
0xd0: {  	s16 =	sand.u32 $0x7F, s16  }
0xd1: {  	s16 =	smul.u32 $0x3, s16  }
0xd2: {  	s18 =	smulhi.u32 $0xAAAAAAAB, s15  }
0xd3: {  	s16 =	ssub.s32 s15, s16  }
0xd4: {  	s18 =	sshrl.u32 s18, $0x1;
	s17 =	sand.u32 $0xFF, s16  }
0xd5: {  	s23 =	simm.s32 $0x0;
	s21 =	smul.u32 $0xFFFDC000, s18;
	s16 =	sadd.s32 $0x1, s17  }
0xd6: {  	s24 =	simm.s32 $0x0;
	s22 =	smul.u32 $0xFFFB8000, s18;
	_ =	swait.ge [sflag:s16], $0x6000  }
0xd7: {  	s21 =	sshra.s32 s21, $0x2;
	s19 =	smul.u32 $0x18000, s17;
	[sflag:s16] =	ssyncset.done $0x0  }
0xd8: {  	s22 =	sshra.s32 s22, $0x2;
	s17 =	smul.u32 $0xC000, s17;
	[sflag:s16] =	ssyncadd.s32 $0xFFFFA000  }
0xd9: {  	s21 =	sadd.s32 s21, s3;
	s22 =	sadd.s32 s22, s14;
	_ =	swait.ge [sflag:s16], $0x3000  }
0xda: {  	s19 =	sshrl.u32 s19, $0x2;
	s17 =	sshrl.u32 s17, $0x2;
	[sflag:s16] =	ssyncset.done $0x0  }
0xdb: {  	v5 =	vimm.f32 $0.0e+00;
	v4 =	vimm.f32 $0.0e+00;
	s20 =	sor.u32 $0x600, s19;
	s18 =	sadd.s32 $0x12600, s17;
	[sflag:s16] =	ssyncadd.s32 $0xFFFFD000  }
.LBB2_3:
0xdc: {  	s25 =	sshrl.u32 s24, $0x3  }
0xdd: {  	s26 =	sand.u32 $0x7, s23;
	s25 =	smul.u32 $0x6000, s25  }
0xde: {  	s26 =	sshll.u32 s26, $0x9  }
0xdf: {  	s25 =	sor.u32 s26, s25  }
0xe0: {  	s25 =	sshra.s32 s25, $0x2  }
0xe1: {  	s28 =	sadd.s32 s25, s22  }
0xe2: {  	v7 =	vld [tilespmem:s28+$0xFFFFD000]  }
0xe3: {  	v6 =	vld [tilespmem:s28+$0xFFFFCFF0]  }
0xe4: {  	v9 =	vld [tilespmem:s28+$0xFFFFCFE0]  }
0xe5: {  	v8 =	vld [tilespmem:s28+$0xFFFFCFD0]  }
0xe6: {  	v10 =	vld [tilespmem:s28+$0xFFFFCFC0]  }
0xe7: {  	v11 =	vld [tilespmem:s28+$0xFFFFFFA0]  }
0xe8: {  	v12 =	vld [tilespmem:s28+$0xFFFFFF90]  }
0xe9: {  	s25 =	sadd.s32 s25, s21;
	v13 =	vld [tilespmem:s28+$0xFFFFCF90]  }
0xea: {  	v14 =	vld [tilespmem:s25+$0x0]  }
0xeb: {  	v15 =	vld [tilespmem:s28+$0xFFFFCFA0]  }
0xec: {  	v16 =	vld [tilespmem:s25+$0x10]  }
0xed: {  	v17 =	vld [tilespmem:s28+$0xFFFFCFB0]  }
0xee: {  	v18 =	vld [tilespmem:s25+$0x20]  }
0xef: {  	v13 =	vadd.f32 v14, v13;
	v14 =	vld [tilespmem:s25+$0x30]  }
0xf0: {  	v19 =	vld [tilespmem:s28+$0xFFFFFFB0]  }
0xf1: {  	v12 =	vsub.f32 v13, v12;
	v13 =	vadd.f32 v16, v15;
	v15 =	vld [tilespmem:s25+$0x40]  }
0xf2: {  	v16 =	vld [tilespmem:s28+$0xFFFFFFC0]  }
0xf3: {  	v12 =	vmul.f32 v12, v12;
	v11 =	vsub.f32 v13, v11;
	v13 =	vadd.f32 v18, v17;
	v17 =	vld [tilespmem:s25+$0x50]  }
0xf4: {  	v18 =	vld [tilespmem:s28+$0xFFFFFFD0];
	v10 =	vadd.f32 v14, v10  }
0xf5: {  	v12 =	vadd.f32 v12, v5;
	v14 =	vmul.f32 v11, v11;
	v13 =	vsub.f32 v13, v19;
	v11 =	vld [tilespmem:s25+$0x60]  }
0xf6: {  	v19 =	vadd.f32 v15, v8;
	v8 =	vld [tilespmem:s28+$0xFFFFFFE0]  }
0xf7: {  	v10 =	vsub.f32 v10, v16;
	v14 =	vadd.f32 v14, v12;
	v15 =	vmul.f32 v13, v13;
	v12 =	vld [tilespmem:s25+$0x70]  }
0xf8: {  	v13 =	vadd.f32 v17, v9;
	v9 =	vld [tilespmem:s28+$0xFFFFFFF0]  }
0xf9: {  	s26 =	simm.s32 $0x0;
	v16 =	vsub.f32 v19, v18;
	v14 =	vadd.f32 v15, v14;
	v15 =	vmul.f32 v10, v10;
	v10 =	vld [tilespmem:s28+$0x0];
	s28 =	sadd.s32 $0x400, s28  }
.LBB2_4:
0xfa: {  	v17 =	vld [tilespmem:s28+$0xFFFFD000];
	v11 =	vadd.f32 v11, v6  }
0xfb: {  	v6 =	vld [tilespmem:s28+$0xFFFFCFF0];
	v14 =	vadd.f32 v15, v14;
	v15 =	vmul.f32 v16, v16;
	v8 =	vsub.f32 v13, v8  }
0xfc: {  	v13 =	vld [tilespmem:s28+$0xFFFFCFE0];
	v16 =	vadd.f32 v12, v7  }
0xfd: {  	v12 =	vld [tilespmem:s28+$0xFFFFCFD0];
	v14 =	vadd.f32 v15, v14;
	v8 =	vmul.f32 v8, v8;
	v9 =	vsub.f32 v11, v9  }
0xfe: {  	v11 =	vld [tilespmem:s28+$0xFFFFCFC0]  }
0xff: {  	v10 =	vsub.f32 v16, v10;
	v15 =	vld [tilespmem:s28+$0xFFFFFFA0];
	v8 =	vadd.f32 v8, v14;
	v9 =	vmul.f32 v9, v9;
	v7 =	vmovc v17  }
0x100: {  	v14 =	vld [tilespmem:s28+$0xFFFFFF90]  }
0x101: {  	s25 =	sadd.s32 $0x400, s25;
	v16 =	vld [tilespmem:s28+$0xFFFFCF90];
	v8 =	vadd.f32 v9, v8;
	v9 =	vmul.f32 v10, v10  }
0x102: {  	s26 =	sadd.s32 $0x8, s26;
	v10 =	vld [tilespmem:s25+$0x0]  }
0x103: {  	p0 =	slt.u32 s26, $0x28;
	v17 =	vld [tilespmem:s28+$0xFFFFCFA0];
	v8 =	vadd.f32 v9, v8  }
0x104: {  	v9 =	vld [tilespmem:s25+$0x10]  }
0x105: {  	v18 =	vld [tilespmem:s28+$0xFFFFCFB0]  }
0x106: {  	v19 =	vld [tilespmem:s25+$0x20]  }
0x107: {  	v10 =	vadd.f32 v10, v16;
	v16 =	vld [tilespmem:s25+$0x30]  }
0x108: {  	v20 =	vld [tilespmem:s28+$0xFFFFFFB0]  }
0x109: {  	v10 =	vsub.f32 v10, v14;
	v9 =	vadd.f32 v9, v17;
	v14 =	vld [tilespmem:s25+$0x40]  }
0x10a: {  	v17 =	vld [tilespmem:s28+$0xFFFFFFC0]  }
0x10b: {  	v10 =	vmul.f32 v10, v10;
	v9 =	vsub.f32 v9, v15;
	v15 =	vadd.f32 v19, v18;
	v18 =	vld [tilespmem:s25+$0x50]  }
0x10c: {  	v16 =	vadd.f32 v16, v11;
	v19 =	vld [tilespmem:s28+$0xFFFFFFD0]  }
.Ltmp4:
0x10d: {  	v10 =	vadd.f32 v10, v8;
	v9 =	vmul.f32 v9, v9;
	v15 =	vsub.f32 v15, v20;
	v11 =	vld [tilespmem:s25+$0x60];
	(pc) =	sbr.rel @p0 .LBB2_4-.Ltmp4, $4  }
0x10e: {  	v20 =	vadd.f32 v14, v12;
	v8 =	vld [tilespmem:s28+$0xFFFFFFE0]  }
0x10f: {  	v10 =	vadd.f32 v9, v10;
	v14 =	vmul.f32 v15, v15;
	v15 =	vsub.f32 v16, v17;
	v12 =	vld [tilespmem:s25+$0x70]  }
0x110: {  	v13 =	vadd.f32 v18, v13;
	v9 =	vld [tilespmem:s28+$0xFFFFFFF0]  }
0x111: {  	v14 =	vadd.f32 v14, v10;
	v15 =	vmul.f32 v15, v15;
	v16 =	vsub.f32 v20, v19;
	v10 =	vld [tilespmem:s28+$0x0];
	s28 =	sadd.s32 $0x400, s28  }
0x112: {  	v6 =	vadd.f32 v11, v6  }
0x113: {  	v62 =	vadd.f32 v15, v14;
	v63 =	vmul.f32 v16, v16;
	v8 =	vsub.f32 v13, v8  }
0x114: {  	v7 =	vadd.f32 v12, v7  }
0x115: {  	v11 =	vadd.f32 v63, v62;
	v8 =	vmul.f32 v8, v8;
	v6 =	vsub.f32 v6, v9;
	_ =	sdelay $0x1  }
0x116: {  	v7 =	vsub.f32 v7, v10;
	v8 =	vadd.f32 v8, v11;
	v6 =	vmul.f32 v6, v6;
	_ =	sdelay $0x1  }
0x117: {  	v7 =	vmul.f32 v7, v7;
	v6 =	vadd.f32 v6, v8;
	_ =	sdelay $0x1  }
0x118: {  	v6 =	vadd.f32 v7, v6;
	_ =	sdelay $0x1  }
0x119: {  	(xrf2) =	vadd.scan.msk.f32 $0xffff, v6;
	_ =	sdelay $0x6  }
0x11a: {  	v7 =	vmov s24;
	s24 =	sadd.s32 $0x1, s24  }
0x11b: {  	p0 =	sne.s32 s24, $0x10  }
.Ltmp5:
0x11c: {  	_ = 	snop;
	(pc) =	sbr.rel @p0 .LBB2_3-.Ltmp5, $4  }
0x11d: {  	v6, _, _ =	vpop (xrf2)  }
0x11e: {  	v6 =	vbroadcast v6, $0xF  }
0x11f: {  	vm1 =	veq.s32 v7, v0  }
0x120: {  	s23 =	sadd.s32 $0x1, s23;
	v4 =	vsel vm1, v6, v4  }
0x121: {  	v5 =	vshra.s32 v4, $0x1  }
0x122: {  	v5 =	vadd.s32 $0x1FBD1DF6, v5  }
0x123: {  	(erf) = vrcp.f32 v5;
	_ =	sdelay $0x8  }
0x124: {  	v6 =	vpop (erf)  }
0x125: {  	v6 =	vmul.f32 v6, v4;
	_ =	sdelay $0x1  }
0x126: {  	v5 =	vadd.f32 v5, v6;
	_ =	sdelay $0x1  }
0x127: {  	v5 =	vmul.f32 $5.000000000e-01, v5;
	_ =	sdelay $0x1  }
0x128: {  	(erf) = vrcp.f32 v5;
	_ =	sdelay $0x8  }
0x129: {  	v62 =	vpop (erf)  }
0x12a: {  	v6 =	vmul.f32 v62, v4;
	_ =	sdelay $0x1  }
0x12b: {  	v5 =	vadd.f32 v6, v5;
	_ =	sdelay $0x1  }
0x12c: {  	v5 =	vmul.f32 $5.000000000e-01, v5;
	_ =	sdelay $0x1  }
0x12d: {  	(erf) = vrcp.f32 v5;
	_ =	sdelay $0x8  }
0x12e: {  	v63 =	vpop (erf)  }
0x12f: {  	v4 =	vmul.f32 v63, v4  }
0x130: {  	p0 =	sgt.u32 s15, $0x1C  }
.Ltmp6:
0x131: {  	v4 =	vadd.f32 v4, v5;
	(pc) =	sbr.rel @p0 .LBB2_8-.Ltmp6, $4  }
0x132: {  	_ = 	snop  }
0x133: {  	s21 =	sshll.u32 s15, $0x4;
	v4 =	vmul.f32 $5.000000000e-01, v4  }
0x134: {  	s21 =	sand.u32 $0x3FFFFFF0, s21  }
0x135: {  	[tilespmem:s21+$0x1B600] =	vst v4  }
0x136: {  	s21 =	sadd.s32 $0x3, s15  }
0x137: {  	s22 =	sshll.u32 s21, $0x5  }
0x138: {  	s22 =	sand.u32 $0x3FFFFFE0, s22  }
0x139: {  	v4 =	vld [tilespmem:s22+$0x0];
	_ =	sdelay $0x4  }
0x13a: {  	v5 =	vshrl.u32 v4, $0x3  }
0x13b: {  	v5 =	vmul.u32 $0x30, v5  }
0x13c: {  	v4 =	vand.u32 $0x7, v4  }
0x13d: {  	v4 =	vor.u32 v4, v5  }
0x13e: {  	v5 =	vperm.xlane v4, v1;
	_ =	sdelay $0x1  }
0x13f: {  	v5 =	vadd.s32 v2, v5;
	_ =	sdelay $0x3  }
0x140: {  	v4 =	vperm.xlane v4, v3  }
0x141: {  	[tilespmem:s20], [sflag:s16] =	stream.indirect_vreg.gather [hbm4b:s1+s4], $0x80, v5, vm0, $0xb8;
	[tilespmem:$0x1B800] =	vst v63  }
0x142: {  	s23 =	sadd.s32 $0xE00, s19;
	v4 =	vadd.s32 v2, v4  }
0x143: {  	[tilespmem:s23], [sflag:s16] =	stream.indirect_vreg.gather [hbm4b:s7+s4], $0x80, v5, vm0, $0xb8;
	[tilespmem:$0x1B800] =	vst v63  }
0x144: {  	s24 =	sadd.s32 $0x1600, s19  }
0x145: {  	[tilespmem:s24], [sflag:s16] =	stream.indirect_vreg.gather [hbm4b:s8+s4], $0x80, v5, vm0, $0xb8;
	[tilespmem:$0x1B800] =	vst v63  }
0x146: {  	s25 =	sadd.s32 $0x1E00, s19  }
0x147: {  	[tilespmem:s25], [sflag:s16] =	stream.indirect_vreg.gather [hbm4b:s1+s4], $0x80, v4, vm0, $0xb8;
	[tilespmem:$0x1B800] =	vst v63  }
0x148: {  	s26 =	sadd.s32 $0x2600, s19  }
0x149: {  	[tilespmem:s26], [sflag:s16] =	stream.indirect_vreg.gather [hbm4b:s7+s4], $0x80, v4, vm0, $0xb8;
	[tilespmem:$0x1B800] =	vst v63  }
0x14a: {  	s28 =	sadd.s32 $0x2E00, s19  }
0x14b: {  	[tilespmem:s28], [sflag:s16] =	stream.indirect_vreg.gather [hbm4b:s8+s4], $0x80, v4, vm0, $0xb8;
	[tilespmem:$0x1B800] =	vst v63  }
0x14c: {  	v4 =	vld [tilespmem:s22+$0x10];
	_ =	sdelay $0x4  }
0x14d: {  	v5 =	vshrl.u32 v4, $0x3  }
0x14e: {  	v5 =	vmul.u32 $0x30, v5  }
0x14f: {  	v4 =	vand.u32 $0x7, v4  }
0x150: {  	v4 =	vor.u32 v4, v5  }
0x151: {  	v5 =	vperm.xlane v4, v1;
	_ =	sdelay $0x1  }
0x152: {  	v5 =	vadd.s32 v2, v5;
	_ =	sdelay $0x3  }
0x153: {  	s23 =	sadd.s32 $0x3600, s19;
	v4 =	vperm.xlane v4, v3  }
0x154: {  	[tilespmem:s23], [sflag:s16] =	stream.indirect_vreg.gather [hbm4b:s1+s4], $0x80, v5, vm0, $0xb8;
	[tilespmem:$0x1B800] =	vst v63  }
0x155: {  	s24 =	sadd.s32 $0x3E00, s19;
	v4 =	vadd.s32 v2, v4  }
0x156: {  	[tilespmem:s24], [sflag:s16] =	stream.indirect_vreg.gather [hbm4b:s7+s4], $0x80, v5, vm0, $0xb8;
	[tilespmem:$0x1B800] =	vst v63  }
0x157: {  	s25 =	sadd.s32 $0x4600, s19  }
0x158: {  	[tilespmem:s25], [sflag:s16] =	stream.indirect_vreg.gather [hbm4b:s8+s4], $0x80, v5, vm0, $0xb8;
	[tilespmem:$0x1B800] =	vst v63  }
0x159: {  	s26 =	sadd.s32 $0x4E00, s19  }
0x15a: {  	[tilespmem:s26], [sflag:s16] =	stream.indirect_vreg.gather [hbm4b:s1+s4], $0x80, v4, vm0, $0xb8;
	[tilespmem:$0x1B800] =	vst v63  }
0x15b: {  	s28 =	sadd.s32 $0x5600, s19;
	s22 =	sshll.u32 s21, $0x4  }
0x15c: {  	[tilespmem:s28], [sflag:s16] =	stream.indirect_vreg.gather [hbm4b:s7+s4], $0x80, v4, vm0, $0xb8;
	[tilespmem:$0x1B800] =	vst v63  }
0x15d: {  	s20 =	sadd.s32 $0x5E00, s19;
	s19 =	sand.u32 $0x3FFFFFF0, s22  }
0x15e: {  	[tilespmem:s20], [sflag:s16] =	stream.indirect_vreg.gather [hbm4b:s8+s4], $0x80, v4, vm0, $0xb8;
	[tilespmem:$0x1B800] =	vst v63  }
0x15f: {  	v4 =	vld [tilespmem:s19+$0x400];
	_ =	sdelay $0x4  }
0x160: {  	v5 =	vshrl.u32 v4, $0x3  }
0x161: {  	v5 =	vmul.u32 $0x30, v5  }
0x162: {  	v4 =	vand.u32 $0x7, v4  }
0x163: {  	v4 =	vor.u32 v4, v5  }
0x164: {  	v5 =	vperm.xlane v4, v1;
	_ =	sdelay $0x1  }
0x165: {  	v5 =	vadd.s32 v2, v5;
	_ =	sdelay $0x3  }
0x166: {  	v4 =	vperm.xlane v4, v3  }
0x167: {  	[tilespmem:s18], [sflag:s16] =	stream.indirect_vreg.gather [hbm4b:s2+s4], $0x80, v5, vm0, $0xb8;
	[tilespmem:$0x1B800] =	vst v63  }
0x168: {  	s23 =	sadd.s32 $0x12E00, s17;
	v4 =	vadd.s32 v2, v4  }
0x169: {  	[tilespmem:s23], [sflag:s16] =	stream.indirect_vreg.gather [hbm4b:s9+s4], $0x80, v5, vm0, $0xb8;
	[tilespmem:$0x1B800] =	vst v63  }
0x16a: {  	s24 =	sadd.s32 $0x13600, s17  }
0x16b: {  	[tilespmem:s24], [sflag:s16] =	stream.indirect_vreg.gather [hbm4b:s10+s4], $0x80, v5, vm0, $0xb8;
	[tilespmem:$0x1B800] =	vst v63  }
0x16c: {  	s25 =	sadd.s32 $0x13E00, s17  }
0x16d: {  	[tilespmem:s25], [sflag:s16] =	stream.indirect_vreg.gather [hbm4b:s2+s4], $0x80, v4, vm0, $0xb8;
	[tilespmem:$0x1B800] =	vst v63  }
.Ltmp7:
0x16e: {  	_ = 	snop;
	(pc) =	sbr.rel .LBB2_8-.Ltmp7, $4  }
0x16f: {  	s26 =	sadd.s32 $0x14600, s17  }
0x170: {  	[tilespmem:s26], [sflag:s16] =	stream.indirect_vreg.gather [hbm4b:s9+s4], $0x80, v4, vm0, $0xb8;
	[tilespmem:$0x1B800] =	vst v63  }
0x171: {  	s28 =	sadd.s32 $0x14E00, s17  }
0x172: {  	[tilespmem:s28], [sflag:s16] =	stream.indirect_vreg.gather [hbm4b:s10+s4], $0x80, v4, vm0, $0xb8;
	[tilespmem:$0x1B800] =	vst v63  }
.LBB2_10:
0x173: {  	_ =	sfence.sel $0x180000  }
0x174: {  	[bflag:$0x0] =	sbarrier.arrive $0xFFFF  }
0x175: {  	_ =	strace $0x90000047  }
0x176: {  	s0 =	stileid.u32;
	[bflag:$0x2] =	sbarrier.arrive $0xFFFF  }
0x177: {  	p0 =	sne.s32 s0, $0x0;
	s0 =	rddreg [dreg:$0x4]  }
0x178: {  	s0 =	sadd.s32 @!p0 $0x100000, s0  }
0x179: {  	[sflag:s0] =	ssyncadd.tile.s32 @!p0 $0x1;
	_ =	shalt  }
.Lfunc_end2:
_tile_overlayer_lowered:
.L_overlay_start_2:
0x17a: {  	(tag) =	ssettag $0x2  }
0x17b: {  	s0 =	rddreg [dreg:$0x0];
	s2 =	stileid.u32  }
0x17c: {  	s1 =	rddreg [dreg:$0x1];
	p0 =	sne.s32 s2, $0x0  }
0x17d: {  	s3 =	rddreg [dreg:$0x2];
	[bflag:$0x3] =	sbarrier.arrive $0xFFFF;
	s2 =	simm.s32 @!p0 $0x1C04  }
0x17e: {  	[timem:s3], [sflag:s2] =	dma.local @!p0 [hbm:s0], s1  }
0x17f: {  	s0 =	simm.s32 @!p0 $0x4  }
0x180: {  	_ =	swait.ge @!p0 [sflag:s0], s1  }
0x181: {  	s1 =	ssub.s32 @!p0 $0x0, s1;
	[sflag:s0] =	ssyncset.done @!p0 $0x0  }
0x182: {  	[sflag:s0] =	ssyncadd.s32 @!p0 s1  }
0x183: {  	[bflag:$0x3] =	sbarrier.arrive $0xFFFF  }
0x184: {  	_ =	shalt  }

</sc_bundles>
